<compile_context>
chip_gen: v7x
topology: tpu7x:2x2x1
jax: 0.10.2.dev20260603
libtpu: 0.0.44.dev20260713+nightly
codegen_flags: <defaults>
</compile_context>

<pallas_src>
import jax
import jax.numpy as jnp
from jax import lax
from jax.experimental import pallas as pl
from jax.experimental.pallas import tpu as pltpu
from jax.experimental.pallas import tpu_sc as plsc

B = 16384
L = 200
D = 16

NC = 2
NS = 16
NW = NC * NS
NB = B // NW
CB = 16
NCHUNK = NB // CB
CHUNK_ROWS = CB * L
NGRP = CHUNK_ROWS // 128
SGRP = NB // 128

SMALL_SLOTS = (0, 1, 2, 3, 5, 6, 7, 8, 9)
HP_SLOT = 4


def _sc_body(hist_ref, idxs_ref, t_u0, t_u1, t_u2, t_u3, t_i0, t_i1, t_i2,
             t_c0, t_c1, g_ref, idx_v, idx_v2, rows_v, rows_v2, sidx_v,
             srows_v, outbuf, sem, sem2):
    wid = lax.axis_index("s") * NC + lax.axis_index("c")
    base = wid * NB

    tables = (t_u0, t_u1, t_u2, t_u3, t_i0, t_i1, t_i2, t_c0, t_c1)
    for t in range(9):
        pltpu.sync_copy(idxs_ref.at[pl.ds(t * B + base, NB)], sidx_v)
        for g in range(SGRP):
            pltpu.make_async_copy(
                tables[t].at[sidx_v.at[pl.ds(g * 128, 128)]],
                srows_v.at[pl.ds(g * 128, 128), :],
                sem,
            ).start()
        pltpu.make_async_copy(t_i0.at[pl.ds(0, NB), :], srows_v, sem).wait()
        pltpu.sync_copy(
            srows_v, g_ref.at[pl.ds(SMALL_SLOTS[t] * B + base, NB), :])

    idx_bufs = (idx_v, idx_v2)
    row_bufs = (rows_v, rows_v2)
    sems = (sem, sem2)

    def stage_and_fire(c, k):
        off = base * L + c * CHUNK_ROWS
        pltpu.sync_copy(hist_ref.at[pl.ds(off, CHUNK_ROWS)], idx_bufs[k])

        def fire(g, carry2):
            pltpu.make_async_copy(
                t_i0.at[idx_bufs[k].at[pl.ds(g * 128, 128)]],
                row_bufs[k].at[pl.ds(g * 128, 128), :],
                sems[k],
            ).start()
            return carry2

        lax.fori_loop(0, NGRP, fire, 0)

    def wait_chunk(k):
        pltpu.make_async_copy(
            t_i0.at[pl.ds(0, CHUNK_ROWS), :], row_bufs[k], sems[k]).wait()

    def accumulate(c, k):
        rows = row_bufs[k]

        def b_body(b, carry3):
            r0 = b * L

            def l_body(j, accs):
                a0, a1, a2, a3 = accs
                p = r0 + j * 8
                a0 = a0 + rows[p + 0, :]
                a1 = a1 + rows[p + 1, :]
                a2 = a2 + rows[p + 2, :]
                a3 = a3 + rows[p + 3, :]
                a0 = a0 + rows[p + 4, :]
                a1 = a1 + rows[p + 5, :]
                a2 = a2 + rows[p + 6, :]
                a3 = a3 + rows[p + 7, :]
                return (a0, a1, a2, a3)

            z = jnp.zeros((D,), jnp.float32)
            a0, a1, a2, a3 = lax.fori_loop(0, L // 8, l_body, (z, z, z, z))
            outbuf[b, :] = (a0 + a1) + (a2 + a3)
            return carry3

        lax.fori_loop(0, CB, b_body, 0)
        pltpu.sync_copy(
            outbuf, g_ref.at[pl.ds(HP_SLOT * B + base + c * CB, CB), :])

    stage_and_fire(0, 0)

    def chunk_pair(c2, carry):
        c = 2 * c2
        wait_chunk(0)
        stage_and_fire(c + 1, 1)
        accumulate(c, 0)
        wait_chunk(1)

        @pl.when(c + 2 < NCHUNK)
        def _():
            stage_and_fire(c + 2, 0)

        accumulate(c + 1, 1)
        return carry

    lax.fori_loop(0, NCHUNK // 2, chunk_pair, 0)


def _sc_gather_pool(hist1d, idx_small, tabs):
    kfn = pl.kernel(
        _sc_body,
        out_type=jax.ShapeDtypeStruct((10 * B, D), jnp.float32),
        mesh=plsc.VectorSubcoreMesh(core_axis_name="c", subcore_axis_name="s"),
        compiler_params=pltpu.CompilerParams(use_tc_tiling_on_sc=False),
        scratch_types=[
            pltpu.VMEM((CHUNK_ROWS,), jnp.int32),
            pltpu.VMEM((CHUNK_ROWS,), jnp.int32),
            pltpu.VMEM((CHUNK_ROWS, D), jnp.float32),
            pltpu.VMEM((CHUNK_ROWS, D), jnp.float32),
            pltpu.VMEM((NB,), jnp.int32),
            pltpu.VMEM((NB, D), jnp.float32),
            pltpu.VMEM((CB, D), jnp.float32),
            pltpu.SemaphoreType.DMA,
            pltpu.SemaphoreType.DMA,
        ],
    )
    return kfn(hist1d, idx_small, *tabs)


def _tc_body(g_ref, un_ref, in_ref, unpW_ref, unpb_ref, inpW_ref, inpb_ref,
             w1s_ref, w1un_ref, w1in_ref, w1x_ref, b1_ref, W2_ref, b2_ref,
             wh1_ref, bh1_ref, wh2_ref, bh2_ref, out_ref):
    g3 = g_ref[...]
    w1s = w1s_ref[...]
    unum = jnp.dot(un_ref[...], unpW_ref[...],
                   preferred_element_type=jnp.float32) + unpb_ref[...]
    inum = jnp.dot(in_ref[...], inpW_ref[...],
                   preferred_element_type=jnp.float32) + inpb_ref[...]
    cross = jnp.sum(g3[0] * g3[5], axis=1, keepdims=True)
    h1 = (jnp.dot(unum, w1un_ref[...], preferred_element_type=jnp.float32)
          + jnp.dot(inum, w1in_ref[...], preferred_element_type=jnp.float32)
          + cross * w1x_ref[...] + b1_ref[...])
    for s in range(10):
        h1 = h1 + jnp.dot(g3[s], w1s[s], preferred_element_type=jnp.float32)
    h1 = jnp.maximum(h1, 0.0)
    sh = jnp.dot(h1, W2_ref[...], preferred_element_type=jnp.float32) + b2_ref[...]
    hh = jnp.maximum(
        jnp.dot(sh, wh1_ref[...], preferred_element_type=jnp.float32)
        + bh1_ref[...], 0.0)
    out_ref[...] = (jnp.dot(hh, wh2_ref[...], preferred_element_type=jnp.float32)
                    + bh2_ref[...])


def _tc_mlp(G3, user_num, item_num, weights):
    bs = 2048
    full = lambda w: pl.BlockSpec(w.shape, lambda i, _n=w.ndim: (0,) * _n)
    in_specs = [
        pl.BlockSpec((10, bs, D), lambda i: (0, i, 0)),
        pl.BlockSpec((bs, 4), lambda i: (i, 0)),
        pl.BlockSpec((bs, 3), lambda i: (i, 0)),
    ] + [full(w) for w in weights]
    return pl.pallas_call(
        _tc_body,
        grid=(B // bs,),
        in_specs=in_specs,
        out_specs=pl.BlockSpec((bs, 2), lambda i: (i, 0)),
        out_shape=jax.ShapeDtypeStruct((B, 2), jnp.float32),
    )(G3, user_num, item_num, *weights)


def kernel(user_cat, user_num, ctx_cat, hist_ids, hist_mask, item_cat,
           item_num, user_emb_0, user_emb_1, user_emb_2, user_emb_3,
           item_emb_0, item_emb_1, item_emb_2, ctx_emb_0, ctx_emb_1,
           unp_W, unp_b, inp_W, inp_b, sb_W1, sb_b1, sb_W2, sb_b2,
           ch_W1, ch_b1, ch_W2, ch_b2, lh_W1, lh_b1, lh_W2, lh_b2):
    idx_small = jnp.concatenate(
        [user_cat.T, item_cat.T, ctx_cat.T], axis=0
    ).astype(jnp.int32).reshape(9 * B)
    hist1d = hist_ids.astype(jnp.int32).reshape(B * L)
    tabs = (user_emb_0, user_emb_1, user_emb_2, user_emb_3,
            item_emb_0, item_emb_1, item_emb_2, ctx_emb_0, ctx_emb_1)
    G = _sc_gather_pool(hist1d, idx_small, tabs)
    G3 = G.reshape(10, B, D)

    W1s = jnp.stack([
        sb_W1[0:16], sb_W1[16:32], sb_W1[32:48], sb_W1[48:64],
        sb_W1[80:96] * (1.0 / L),
        sb_W1[96:112], sb_W1[112:128], sb_W1[128:144],
        sb_W1[160:176], sb_W1[176:192],
    ])
    weights = (
        unp_W, unp_b.reshape(1, D), inp_W, inp_b.reshape(1, D),
        W1s, sb_W1[64:80], sb_W1[144:160], sb_W1[192:193],
        sb_b1.reshape(1, -1), sb_W2, sb_b2.reshape(1, -1),
        jnp.concatenate([ch_W1, lh_W1], axis=1),
        jnp.concatenate([ch_b1, lh_b1]).reshape(1, -1),
        jnp.concatenate([
            jnp.concatenate([ch_W2, jnp.zeros_like(ch_W2)], axis=1),
            jnp.concatenate([jnp.zeros_like(lh_W2), lh_W2], axis=1),
        ], axis=0),
        jnp.concatenate([ch_b2, lh_b2]).reshape(1, -1),
    )
    out2 = _tc_mlp(G3, user_num, item_num, weights)
    return (out2[:, 0], out2[:, 1])

# --- scband reference (transcript-rebuilt; emitter-appended) ---
"""Pipeline reference for scband-shared-bottom-ranker-52390011076692 (READ-ONLY COPY).

The authoritative reference and input builder live on the scoring server;
editing this copy changes nothing except your own understanding.
"""

import jax, jax.numpy as jnp
import numpy as np

B = 16384
L = 200
D = 16
USER_VOCABS = [1000000, 10, 3, 1000]
ITEM_VOCABS = [1000000, 1000, 100000]
CTX_VOCABS = [24, 8]
N_USER_NUM = 4
N_ITEM_NUM = 3
SHARED_DIM = 128
SHARED_IN = 4 * D + 2 * D + 3 * D + D + 2 * D + 1


def _mlp2(x, W1, b1, W2, b2):
    h = jnp.maximum(x @ W1 + b1, 0.0)
    return h @ W2 + b2


def _forward(p):
    ue = [p['user_emb_%d' % i][p['user_cat'][:, i]] for i in range(4)]
    u_num = p['user_num'] @ p['unp_W'] + p['unp_b']
    he = p['item_emb_0'][p['hist_ids']]
    m = p['hist_mask'][..., None]
    h_pool = (he * m).sum(axis=1) / jnp.clip(m.sum(axis=1), 1e-06, None)
    user_repr = jnp.concatenate(ue + [u_num, h_pool], axis=-1)
    ie = [p['item_emb_%d' % i][p['item_cat'][:, i]] for i in range(3)]
    i_num = p['item_num'] @ p['inp_W'] + p['inp_b']
    item_repr = jnp.concatenate(ie + [i_num], axis=-1)
    ce = [p['ctx_emb_%d' % i][p['ctx_cat'][:, i]] for i in range(2)]
    ctx_repr = jnp.concatenate(ce, axis=-1)
    cross = (user_repr[:, :D] * item_repr[:, :D]).sum(axis=-1, keepdims=True)
    shared_in = jnp.concatenate([user_repr, item_repr, ctx_repr, cross], axis=-1)
    shared = _mlp2(shared_in, p['sb_W1'], p['sb_b1'], p['sb_W2'], p['sb_b2'])
    click = _mlp2(shared, p['ch_W1'], p['ch_b1'], p['ch_W2'], p['ch_b2'])[:, 0]
    long_view = _mlp2(shared, p['lh_W1'], p['lh_b1'], p['lh_W2'], p['lh_b2'])[:, 0]
    return (click, long_view)


def setup_inputs(seed: int = 0):
    key = jax.random.key(seed)
    ks = [jax.random.fold_in(key, i) for i in range(64)]
    inp = {}
    inp['user_cat'] = jax.random.randint(ks[0], (B, 4), 0, 3)
    inp['user_num'] = jax.random.normal(ks[1], (B, N_USER_NUM), dtype=jnp.float32)
    inp['ctx_cat'] = jax.random.randint(ks[2], (B, 2), 0, 8)
    inp['hist_ids'] = jax.random.randint(ks[3], (B, L), 0, 1000000)
    inp['hist_mask'] = jnp.ones((B, L), dtype=jnp.float32)
    inp['item_cat'] = jax.random.randint(ks[4], (B, 3), 0, 1000)
    inp['item_num'] = jax.random.normal(ks[5], (B, N_ITEM_NUM), dtype=jnp.float32)
    ki = 6
    for i, v in enumerate(USER_VOCABS):
        inp['user_emb_%d' % i] = jax.random.normal(ks[ki], (v, D), dtype=jnp.float32) * 0.02
        ki += 1
    for i, v in enumerate(ITEM_VOCABS):
        inp['item_emb_%d' % i] = jax.random.normal(ks[ki], (v, D), dtype=jnp.float32) * 0.02
        ki += 1
    for i, v in enumerate(CTX_VOCABS):
        inp['ctx_emb_%d' % i] = jax.random.normal(ks[ki], (v, D), dtype=jnp.float32) * 0.02
        ki += 1
    inp['unp_W'] = jax.random.normal(ks[ki], (N_USER_NUM, D), dtype=jnp.float32) / np.sqrt(N_USER_NUM)
    ki += 1
    inp['unp_b'] = jnp.zeros((D,), dtype=jnp.float32)
    inp['inp_W'] = jax.random.normal(ks[ki], (N_ITEM_NUM, D), dtype=jnp.float32) / np.sqrt(N_ITEM_NUM)
    ki += 1
    inp['inp_b'] = jnp.zeros((D,), dtype=jnp.float32)
    inp['sb_W1'] = jax.random.normal(ks[ki], (SHARED_IN, SHARED_DIM), dtype=jnp.float32) / np.sqrt(SHARED_IN)
    ki += 1
    inp['sb_b1'] = jnp.zeros((SHARED_DIM,), dtype=jnp.float32)
    inp['sb_W2'] = jax.random.normal(ks[ki], (SHARED_DIM, SHARED_DIM), dtype=jnp.float32) / np.sqrt(SHARED_DIM)
    ki += 1
    inp['sb_b2'] = jnp.zeros((SHARED_DIM,), dtype=jnp.float32)
    for pre in ['ch', 'lh']:
        inp[pre + '_W1'] = jax.random.normal(ks[ki], (SHARED_DIM, SHARED_DIM // 2), dtype=jnp.float32) / np.sqrt(SHARED_DIM)
        ki += 1
        inp[pre + '_b1'] = jnp.zeros((SHARED_DIM // 2,), dtype=jnp.float32)
        inp[pre + '_W2'] = jax.random.normal(ks[ki], (SHARED_DIM // 2, 1), dtype=jnp.float32) / np.sqrt(SHARED_DIM // 2)
        ki += 1
        inp[pre + '_b2'] = jnp.zeros((1,), dtype=jnp.float32)
    return inp


def reference(user_cat, user_num, ctx_cat, hist_ids, hist_mask, item_cat,
              item_num, user_emb_0, user_emb_1, user_emb_2, user_emb_3,
              item_emb_0, item_emb_1, item_emb_2, ctx_emb_0, ctx_emb_1,
              unp_W, unp_b, inp_W, inp_b, sb_W1, sb_b1, sb_W2, sb_b2,
              ch_W1, ch_b1, ch_W2, ch_b2, lh_W1, lh_b1, lh_W2, lh_b2):
    p = {
        'user_cat': user_cat, 'user_num': user_num, 'ctx_cat': ctx_cat,
        'hist_ids': hist_ids, 'hist_mask': hist_mask, 'item_cat': item_cat,
        'item_num': item_num, 'user_emb_0': user_emb_0, 'user_emb_1': user_emb_1,
        'user_emb_2': user_emb_2, 'user_emb_3': user_emb_3,
        'item_emb_0': item_emb_0, 'item_emb_1': item_emb_1, 'item_emb_2': item_emb_2,
        'ctx_emb_0': ctx_emb_0, 'ctx_emb_1': ctx_emb_1,
        'unp_W': unp_W, 'unp_b': unp_b, 'inp_W': inp_W, 'inp_b': inp_b,
        'sb_W1': sb_W1, 'sb_b1': sb_b1, 'sb_W2': sb_W2, 'sb_b2': sb_b2,
        'ch_W1': ch_W1, 'ch_b1': ch_b1, 'ch_W2': ch_W2, 'ch_b2': ch_b2,
        'lh_W1': lh_W1, 'lh_b1': lh_b1, 'lh_W2': lh_W2, 'lh_b2': lh_b2,
    }
    return _forward(p)

if __name__ == "__main__":
    import jax
    _d = setup_inputs()
    print(jax.jit(kernel)(*tuple(_d.values())))

</pallas_src>

<mosaic_0001>
#map = affine_map<(d0, d1) -> (0)>
#map1 = affine_map<(d0, d1) -> (0, 0)>
module attributes {stable_mosaic.version = 14 : i64} {
  func.func @_sc_body(%arg0: i32, %arg1: i32, %arg2: memref<3276800xi32, #tpu.memory_space<hbm>>, %arg3: memref<147456xi32, #tpu.memory_space<hbm>>, %arg4: memref<1000000x16xf32, #tpu.memory_space<hbm>>, %arg5: memref<10x16xf32, #tpu.memory_space<hbm>>, %arg6: memref<3x16xf32, #tpu.memory_space<hbm>>, %arg7: memref<1000x16xf32, #tpu.memory_space<hbm>>, %arg8: memref<1000000x16xf32, #tpu.memory_space<hbm>>, %arg9: memref<1000x16xf32, #tpu.memory_space<hbm>>, %arg10: memref<100000x16xf32, #tpu.memory_space<hbm>>, %arg11: memref<24x16xf32, #tpu.memory_space<hbm>>, %arg12: memref<8x16xf32, #tpu.memory_space<hbm>>, %arg13: memref<163840x16xf32, #tpu.memory_space<hbm>>, %arg14: memref<3200xi32, #tpu.memory_space<vmem>>, %arg15: memref<3200xi32, #tpu.memory_space<vmem>>, %arg16: memref<3200x16xf32, #tpu.memory_space<vmem>>, %arg17: memref<3200x16xf32, #tpu.memory_space<vmem>>, %arg18: memref<512xi32, #tpu.memory_space<vmem>>, %arg19: memref<512x16xf32, #tpu.memory_space<vmem>>, %arg20: memref<16x16xf32, #tpu.memory_space<vmem>>, %arg21: memref<!tpu.dma_semaphore, #tpu.memory_space<semaphore_mem>>, %arg22: memref<!tpu.dma_semaphore, #tpu.memory_space<semaphore_mem>>) attributes {dimension_semantics = [#tpu.dimension_semantics<core_parallel>, #tpu.dimension_semantics<subcore_parallel>], iteration_bounds = array<i64: 2, 16>, scalar_prefetch = 0 : i64, scratch_operands = 9 : i64, tpu.core_type = #tpu.core_type<sc_vector_subcore>, window_params = [{transform_indices = #map}, {transform_indices = #map}, {transform_indices = #map1}, {transform_indices = #map1}, {transform_indices = #map1}, {transform_indices = #map1}, {transform_indices = #map1}, {transform_indices = #map1}, {transform_indices = #map1}, {transform_indices = #map1}, {transform_indices = #map1}, {transform_indices = #map1}]} {
    %mul3A = arith.constant 2 : i32
    %mul3A_0 = arith.muli %arg1, %mul3A : i32
    %add3A = arith.addi %mul3A_0, %arg0 : i32
    %mul3A_1 = arith.constant 512 : i32
    %mul3A_2 = arith.muli %add3A, %mul3A_1 : i32
    %add3A_3 = arith.constant 0 : i32
    %add3A_4 = arith.addi %add3A_3, %mul3A_2 : i32
    "tpu.region"() ({
      %run_scoped3A = tpu.sem_alloc : memref<!tpu.dma_semaphore, #tpu.memory_space<semaphore_mem>>
      %dma_start3A_394 = tpu.memref_slice %arg3[%add3A_4] : memref<147456xi32, #tpu.memory_space<hbm>> -> memref<512xi32, #tpu.memory_space<hbm>>
      %dma_start3A_395 = tpu.memref_slice %arg3[%add3A_4] : memref<147456xi32, #tpu.memory_space<hbm>> -> memref<512xi32, #tpu.memory_space<hbm>>
      tpu.enqueue_dma source(%dma_start3A_395 : memref<512xi32, #tpu.memory_space<hbm>>) target(%arg18 : memref<512xi32, #tpu.memory_space<vmem>>) target_semaphore(%run_scoped3A : memref<!tpu.dma_semaphore, #tpu.memory_space<semaphore_mem>>)
      %dma_wait3A_396 = tpu.memref_slice %arg3[%add3A_4] : memref<147456xi32, #tpu.memory_space<hbm>> -> memref<512xi32, #tpu.memory_space<hbm>>
      %dma_wait3A_397 = tpu.memref_slice %arg3[%add3A_4] : memref<147456xi32, #tpu.memory_space<hbm>> -> memref<512xi32, #tpu.memory_space<hbm>>
      tpu.wait_dma2 semaphore(%run_scoped3A : memref<!tpu.dma_semaphore, #tpu.memory_space<semaphore_mem>>) src(%dma_wait3A_397 : memref<512xi32, #tpu.memory_space<hbm>>) dst(%arg18 : memref<512xi32, #tpu.memory_space<vmem>>)
      tpu.yield
    }) : () -> ()
    %dma_start3A = arith.constant 0 : i32
    %dma_start3A_5 = arith.constant 0 : i32
    %dma_start3A_6 = tpu.memref_slice %arg19[%dma_start3A, %dma_start3A_5] : memref<512x16xf32, #tpu.memory_space<vmem>> -> memref<128x16xf32, #tpu.memory_space<vmem>>
    %dma_start3A_7 = arith.constant 0 : i32
    %dma_start3A_8 = tpu.memref_slice %arg18[%dma_start3A_7] : memref<512xi32, #tpu.memory_space<vmem>> -> memref<128xi32, #tpu.memory_space<vmem>>
    %dma_start3A_9 = arith.constant 0 : i32
    %dma_start3A_10 = arith.constant 0 : i32
    %dma_start3A_11 = tpu.memref_slice %arg4[%dma_start3A_9, %dma_start3A_10] : memref<1000000x16xf32, #tpu.memory_space<hbm>> -> memref<1000000x16xf32, #tpu.memory_space<hbm>>
    tpu.enqueue_indirect_dma source(%dma_start3A_11 : memref<1000000x16xf32, #tpu.memory_space<hbm>>) target(%dma_start3A_6 : memref<128x16xf32, #tpu.memory_space<vmem>>) offsets(%dma_start3A_8 : memref<128xi32, #tpu.memory_space<vmem>>) semaphore(%arg21 : memref<!tpu.dma_semaphore, #tpu.memory_space<semaphore_mem>>)
    %dma_start3A_12 = arith.constant 128 : i32
    %dma_start3A_13 = arith.constant 0 : i32
    %dma_start3A_14 = tpu.memref_slice %arg19[%dma_start3A_12, %dma_start3A_13] : memref<512x16xf32, #tpu.memory_space<vmem>> -> memref<128x16xf32, #tpu.memory_space<vmem>>
    %dma_start3A_15 = arith.constant 128 : i32
    %dma_start3A_16 = tpu.memref_slice %arg18[%dma_start3A_15] : memref<512xi32, #tpu.memory_space<vmem>> -> memref<128xi32, #tpu.memory_space<vmem>>
    %dma_start3A_17 = arith.constant 0 : i32
    %dma_start3A_18 = arith.constant 0 : i32
    %dma_start3A_19 = tpu.memref_slice %arg4[%dma_start3A_17, %dma_start3A_18] : memref<1000000x16xf32, #tpu.memory_space<hbm>> -> memref<1000000x16xf32, #tpu.memory_space<hbm>>
    tpu.enqueue_indirect_dma source(%dma_start3A_19 : memref<1000000x16xf32, #tpu.memory_space<hbm>>) target(%dma_start3A_14 : memref<128x16xf32, #tpu.memory_space<vmem>>) offsets(%dma_start3A_16 : memref<128xi32, #tpu.memory_space<vmem>>) semaphore(%arg21 : memref<!tpu.dma_semaphore, #tpu.memory_space<semaphore_mem>>)
    %dma_start3A_20 = arith.constant 256 : i32
    %dma_start3A_21 = arith.constant 0 : i32
    %dma_start3A_22 = tpu.memref_slice %arg19[%dma_start3A_20, %dma_start3A_21] : memref<512x16xf32, #tpu.memory_space<vmem>> -> memref<128x16xf32, #tpu.memory_space<vmem>>
    %dma_start3A_23 = arith.constant 256 : i32
    %dma_start3A_24 = tpu.memref_slice %arg18[%dma_start3A_23] : memref<512xi32, #tpu.memory_space<vmem>> -> memref<128xi32, #tpu.memory_space<vmem>>
    %dma_start3A_25 = arith.constant 0 : i32
    %dma_start3A_26 = arith.constant 0 : i32
    %dma_start3A_27 = tpu.memref_slice %arg4[%dma_start3A_25, %dma_start3A_26] : memref<1000000x16xf32, #tpu.memory_space<hbm>> -> memref<1000000x16xf32, #tpu.memory_space<hbm>>
    tpu.enqueue_indirect_dma source(%dma_start3A_27 : memref<1000000x16xf32, #tpu.memory_space<hbm>>) target(%dma_start3A_22 : memref<128x16xf32, #tpu.memory_space<vmem>>) offsets(%dma_start3A_24 : memref<128xi32, #tpu.memory_space<vmem>>) semaphore(%arg21 : memref<!tpu.dma_semaphore, #tpu.memory_space<semaphore_mem>>)
    %dma_start3A_28 = arith.constant 384 : i32
    %dma_start3A_29 = arith.constant 0 : i32
    %dma_start3A_30 = tpu.memref_slice %arg19[%dma_start3A_28, %dma_start3A_29] : memref<512x16xf32, #tpu.memory_space<vmem>> -> memref<128x16xf32, #tpu.memory_space<vmem>>
    %dma_start3A_31 = arith.constant 384 : i32
    %dma_start3A_32 = tpu.memref_slice %arg18[%dma_start3A_31] : memref<512xi32, #tpu.memory_space<vmem>> -> memref<128xi32, #tpu.memory_space<vmem>>
    %dma_start3A_33 = arith.constant 0 : i32
    %dma_start3A_34 = arith.constant 0 : i32
    %dma_start3A_35 = tpu.memref_slice %arg4[%dma_start3A_33, %dma_start3A_34] : memref<1000000x16xf32, #tpu.memory_space<hbm>> -> memref<1000000x16xf32, #tpu.memory_space<hbm>>
    tpu.enqueue_indirect_dma source(%dma_start3A_35 : memref<1000000x16xf32, #tpu.memory_space<hbm>>) target(%dma_start3A_30 : memref<128x16xf32, #tpu.memory_space<vmem>>) offsets(%dma_start3A_32 : memref<128xi32, #tpu.memory_space<vmem>>) semaphore(%arg21 : memref<!tpu.dma_semaphore, #tpu.memory_space<semaphore_mem>>)
    %dma_wait3A = arith.constant 0 : i32
    %dma_wait3A_36 = arith.constant 0 : i32
    %dma_wait3A_37 = tpu.memref_slice %arg8[%dma_wait3A, %dma_wait3A_36] : memref<1000000x16xf32, #tpu.memory_space<hbm>> -> memref<512x16xf32, #tpu.memory_space<hbm>>
    %dma_wait3A_38 = arith.constant 0 : i32
    %dma_wait3A_39 = arith.constant 0 : i32
    %dma_wait3A_40 = tpu.memref_slice %arg8[%dma_wait3A_38, %dma_wait3A_39] : memref<1000000x16xf32, #tpu.memory_space<hbm>> -> memref<512x16xf32, #tpu.memory_space<hbm>>
    tpu.wait_dma2 semaphore(%arg21 : memref<!tpu.dma_semaphore, #tpu.memory_space<semaphore_mem>>) src(%dma_wait3A_40 : memref<512x16xf32, #tpu.memory_space<hbm>>) dst(%arg19 : memref<512x16xf32, #tpu.memory_space<vmem>>)
    %add3A_41 = arith.constant 0 : i32
    %add3A_42 = arith.addi %add3A_41, %mul3A_2 : i32
    "tpu.region"() ({
      %run_scoped3A = tpu.sem_alloc : memref<!tpu.dma_semaphore, #tpu.memory_space<semaphore_mem>>
      %dma_start3A_394 = arith.constant 0 : i32
      %dma_start3A_395 = tpu.memref_slice %arg13[%add3A_42, %dma_start3A_394] : memref<163840x16xf32, #tpu.memory_space<hbm>> -> memref<512x16xf32, #tpu.memory_space<hbm>>
      %dma_start3A_396 = arith.constant 0 : i32
      %dma_start3A_397 = tpu.memref_slice %arg13[%add3A_42, %dma_start3A_396] : memref<163840x16xf32, #tpu.memory_space<hbm>> -> memref<512x16xf32, #tpu.memory_space<hbm>>
      tpu.enqueue_dma source(%arg19 : memref<512x16xf32, #tpu.memory_space<vmem>>) target(%dma_start3A_397 : memref<512x16xf32, #tpu.memory_space<hbm>>) target_semaphore(%run_scoped3A : memref<!tpu.dma_semaphore, #tpu.memory_space<semaphore_mem>>)
      %dma_wait3A_398 = arith.constant 0 : i32
      %dma_wait3A_399 = tpu.memref_slice %arg13[%add3A_42, %dma_wait3A_398] : memref<163840x16xf32, #tpu.memory_space<hbm>> -> memref<512x16xf32, #tpu.memory_space<hbm>>
      %dma_wait3A_400 = arith.constant 0 : i32
      %dma_wait3A_401 = tpu.memref_slice %arg13[%add3A_42, %dma_wait3A_400] : memref<163840x16xf32, #tpu.memory_space<hbm>> -> memref<512x16xf32, #tpu.memory_space<hbm>>
      tpu.wait_dma2 semaphore(%run_scoped3A : memref<!tpu.dma_semaphore, #tpu.memory_space<semaphore_mem>>) src(%arg19 : memref<512x16xf32, #tpu.memory_space<vmem>>) dst(%dma_wait3A_401 : memref<512x16xf32, #tpu.memory_space<hbm>>)
      tpu.yield
    }) : () -> ()
    %add3A_43 = arith.constant 16384 : i32
    %add3A_44 = arith.addi %add3A_43, %mul3A_2 : i32
    "tpu.region"() ({
      %run_scoped3A = tpu.sem_alloc : memref<!tpu.dma_semaphore, #tpu.memory_space<semaphore_mem>>
      %dma_start3A_394 = tpu.memref_slice %arg3[%add3A_44] : memref<147456xi32, #tpu.memory_space<hbm>> -> memref<512xi32, #tpu.memory_space<hbm>>
      %dma_start3A_395 = tpu.memref_slice %arg3[%add3A_44] : memref<147456xi32, #tpu.memory_space<hbm>> -> memref<512xi32, #tpu.memory_space<hbm>>
      tpu.enqueue_dma source(%dma_start3A_395 : memref<512xi32, #tpu.memory_space<hbm>>) target(%arg18 : memref<512xi32, #tpu.memory_space<vmem>>) target_semaphore(%run_scoped3A : memref<!tpu.dma_semaphore, #tpu.memory_space<semaphore_mem>>)
      %dma_wait3A_396 = tpu.memref_slice %arg3[%add3A_44] : memref<147456xi32, #tpu.memory_space<hbm>> -> memref<512xi32, #tpu.memory_space<hbm>>
      %dma_wait3A_397 = tpu.memref_slice %arg3[%add3A_44] : memref<147456xi32, #tpu.memory_space<hbm>> -> memref<512xi32, #tpu.memory_space<hbm>>
      tpu.wait_dma2 semaphore(%run_scoped3A : memref<!tpu.dma_semaphore, #tpu.memory_space<semaphore_mem>>) src(%dma_wait3A_397 : memref<512xi32, #tpu.memory_space<hbm>>) dst(%arg18 : memref<512xi32, #tpu.memory_space<vmem>>)
      tpu.yield
    }) : () -> ()
    %dma_start3A_45 = arith.constant 0 : i32
    %dma_start3A_46 = arith.constant 0 : i32
    %dma_start3A_47 = tpu.memref_slice %arg19[%dma_start3A_45, %dma_start3A_46] : memref<512x16xf32, #tpu.memory_space<vmem>> -> memref<128x16xf32, #tpu.memory_space<vmem>>
    %dma_start3A_48 = arith.constant 0 : i32
    %dma_start3A_49 = tpu.memref_slice %arg18[%dma_start3A_48] : memref<512xi32, #tpu.memory_space<vmem>> -> memref<128xi32, #tpu.memory_space<vmem>>
    %dma_start3A_50 = arith.constant 0 : i32
    %dma_start3A_51 = arith.constant 0 : i32
    %dma_start3A_52 = tpu.memref_slice %arg5[%dma_start3A_50, %dma_start3A_51] : memref<10x16xf32, #tpu.memory_space<hbm>> -> memref<10x16xf32, #tpu.memory_space<hbm>>
    tpu.enqueue_indirect_dma source(%dma_start3A_52 : memref<10x16xf32, #tpu.memory_space<hbm>>) target(%dma_start3A_47 : memref<128x16xf32, #tpu.memory_space<vmem>>) offsets(%dma_start3A_49 : memref<128xi32, #tpu.memory_space<vmem>>) semaphore(%arg21 : memref<!tpu.dma_semaphore, #tpu.memory_space<semaphore_mem>>)
    %dma_start3A_53 = arith.constant 128 : i32
    %dma_start3A_54 = arith.constant 0 : i32
    %dma_start3A_55 = tpu.memref_slice %arg19[%dma_start3A_53, %dma_start3A_54] : memref<512x16xf32, #tpu.memory_space<vmem>> -> memref<128x16xf32, #tpu.memory_space<vmem>>
    %dma_start3A_56 = arith.constant 128 : i32
    %dma_start3A_57 = tpu.memref_slice %arg18[%dma_start3A_56] : memref<512xi32, #tpu.memory_space<vmem>> -> memref<128xi32, #tpu.memory_space<vmem>>
    %dma_start3A_58 = arith.constant 0 : i32
    %dma_start3A_59 = arith.constant 0 : i32
    %dma_start3A_60 = tpu.memref_slice %arg5[%dma_start3A_58, %dma_start3A_59] : memref<10x16xf32, #tpu.memory_space<hbm>> -> memref<10x16xf32, #tpu.memory_space<hbm>>
    tpu.enqueue_indirect_dma source(%dma_start3A_60 : memref<10x16xf32, #tpu.memory_space<hbm>>) target(%dma_start3A_55 : memref<128x16xf32, #tpu.memory_space<vmem>>) offsets(%dma_start3A_57 : memref<128xi32, #tpu.memory_space<vmem>>) semaphore(%arg21 : memref<!tpu.dma_semaphore, #tpu.memory_space<semaphore_mem>>)
    %dma_start3A_61 = arith.constant 256 : i32
    %dma_start3A_62 = arith.constant 0 : i32
    %dma_start3A_63 = tpu.memref_slice %arg19[%dma_start3A_61, %dma_start3A_62] : memref<512x16xf32, #tpu.memory_space<vmem>> -> memref<128x16xf32, #tpu.memory_space<vmem>>
    %dma_start3A_64 = arith.constant 256 : i32
    %dma_start3A_65 = tpu.memref_slice %arg18[%dma_start3A_64] : memref<512xi32, #tpu.memory_space<vmem>> -> memref<128xi32, #tpu.memory_space<vmem>>
    %dma_start3A_66 = arith.constant 0 : i32
    %dma_start3A_67 = arith.constant 0 : i32
    %dma_start3A_68 = tpu.memref_slice %arg5[%dma_start3A_66, %dma_start3A_67] : memref<10x16xf32, #tpu.memory_space<hbm>> -> memref<10x16xf32, #tpu.memory_space<hbm>>
    tpu.enqueue_indirect_dma source(%dma_start3A_68 : memref<10x16xf32, #tpu.memory_space<hbm>>) target(%dma_start3A_63 : memref<128x16xf32, #tpu.memory_space<vmem>>) offsets(%dma_start3A_65 : memref<128xi32, #tpu.memory_space<vmem>>) semaphore(%arg21 : memref<!tpu.dma_semaphore, #tpu.memory_space<semaphore_mem>>)
    %dma_start3A_69 = arith.constant 384 : i32
    %dma_start3A_70 = arith.constant 0 : i32
    %dma_start3A_71 = tpu.memref_slice %arg19[%dma_start3A_69, %dma_start3A_70] : memref<512x16xf32, #tpu.memory_space<vmem>> -> memref<128x16xf32, #tpu.memory_space<vmem>>
    %dma_start3A_72 = arith.constant 384 : i32
    %dma_start3A_73 = tpu.memref_slice %arg18[%dma_start3A_72] : memref<512xi32, #tpu.memory_space<vmem>> -> memref<128xi32, #tpu.memory_space<vmem>>
    %dma_start3A_74 = arith.constant 0 : i32
    %dma_start3A_75 = arith.constant 0 : i32
    %dma_start3A_76 = tpu.memref_slice %arg5[%dma_start3A_74, %dma_start3A_75] : memref<10x16xf32, #tpu.memory_space<hbm>> -> memref<10x16xf32, #tpu.memory_space<hbm>>
    tpu.enqueue_indirect_dma source(%dma_start3A_76 : memref<10x16xf32, #tpu.memory_space<hbm>>) target(%dma_start3A_71 : memref<128x16xf32, #tpu.memory_space<vmem>>) offsets(%dma_start3A_73 : memref<128xi32, #tpu.memory_space<vmem>>) semaphore(%arg21 : memref<!tpu.dma_semaphore, #tpu.memory_space<semaphore_mem>>)
    %dma_wait3A_77 = arith.constant 0 : i32
    %dma_wait3A_78 = arith.constant 0 : i32
    %dma_wait3A_79 = tpu.memref_slice %arg8[%dma_wait3A_77, %dma_wait3A_78] : memref<1000000x16xf32, #tpu.memory_space<hbm>> -> memref<512x16xf32, #tpu.memory_space<hbm>>
    %dma_wait3A_80 = arith.constant 0 : i32
    %dma_wait3A_81 = arith.constant 0 : i32
    %dma_wait3A_82 = tpu.memref_slice %arg8[%dma_wait3A_80, %dma_wait3A_81] : memref<1000000x16xf32, #tpu.memory_space<hbm>> -> memref<512x16xf32, #tpu.memory_space<hbm>>
    tpu.wait_dma2 semaphore(%arg21 : memref<!tpu.dma_semaphore, #tpu.memory_space<semaphore_mem>>) src(%dma_wait3A_82 : memref<512x16xf32, #tpu.memory_space<hbm>>) dst(%arg19 : memref<512x16xf32, #tpu.memory_space<vmem>>)
    %add3A_83 = arith.constant 16384 : i32
    %add3A_84 = arith.addi %add3A_83, %mul3A_2 : i32
    "tpu.region"() ({
      %run_scoped3A = tpu.sem_alloc : memref<!tpu.dma_semaphore, #tpu.memory_space<semaphore_mem>>
      %dma_start3A_394 = arith.constant 0 : i32
      %dma_start3A_395 = tpu.memref_slice %arg13[%add3A_84, %dma_start3A_394] : memref<163840x16xf32, #tpu.memory_space<hbm>> -> memref<512x16xf32, #tpu.memory_space<hbm>>
      %dma_start3A_396 = arith.constant 0 : i32
      %dma_start3A_397 = tpu.memref_slice %arg13[%add3A_84, %dma_start3A_396] : memref<163840x16xf32, #tpu.memory_space<hbm>> -> memref<512x16xf32, #tpu.memory_space<hbm>>
      tpu.enqueue_dma source(%arg19 : memref<512x16xf32, #tpu.memory_space<vmem>>) target(%dma_start3A_397 : memref<512x16xf32, #tpu.memory_space<hbm>>) target_semaphore(%run_scoped3A : memref<!tpu.dma_semaphore, #tpu.memory_space<semaphore_mem>>)
      %dma_wait3A_398 = arith.constant 0 : i32
      %dma_wait3A_399 = tpu.memref_slice %arg13[%add3A_84, %dma_wait3A_398] : memref<163840x16xf32, #tpu.memory_space<hbm>> -> memref<512x16xf32, #tpu.memory_space<hbm>>
      %dma_wait3A_400 = arith.constant 0 : i32
      %dma_wait3A_401 = tpu.memref_slice %arg13[%add3A_84, %dma_wait3A_400] : memref<163840x16xf32, #tpu.memory_space<hbm>> -> memref<512x16xf32, #tpu.memory_space<hbm>>
      tpu.wait_dma2 semaphore(%run_scoped3A : memref<!tpu.dma_semaphore, #tpu.memory_space<semaphore_mem>>) src(%arg19 : memref<512x16xf32, #tpu.memory_space<vmem>>) dst(%dma_wait3A_401 : memref<512x16xf32, #tpu.memory_space<hbm>>)
      tpu.yield
    }) : () -> ()
    %add3A_85 = arith.constant 32768 : i32
    %add3A_86 = arith.addi %add3A_85, %mul3A_2 : i32
    "tpu.region"() ({
      %run_scoped3A = tpu.sem_alloc : memref<!tpu.dma_semaphore, #tpu.memory_space<semaphore_mem>>
      %dma_start3A_394 = tpu.memref_slice %arg3[%add3A_86] : memref<147456xi32, #tpu.memory_space<hbm>> -> memref<512xi32, #tpu.memory_space<hbm>>
      %dma_start3A_395 = tpu.memref_slice %arg3[%add3A_86] : memref<147456xi32, #tpu.memory_space<hbm>> -> memref<512xi32, #tpu.memory_space<hbm>>
      tpu.enqueue_dma source(%dma_start3A_395 : memref<512xi32, #tpu.memory_space<hbm>>) target(%arg18 : memref<512xi32, #tpu.memory_space<vmem>>) target_semaphore(%run_scoped3A : memref<!tpu.dma_semaphore, #tpu.memory_space<semaphore_mem>>)
      %dma_wait3A_396 = tpu.memref_slice %arg3[%add3A_86] : memref<147456xi32, #tpu.memory_space<hbm>> -> memref<512xi32, #tpu.memory_space<hbm>>
      %dma_wait3A_397 = tpu.memref_slice %arg3[%add3A_86] : memref<147456xi32, #tpu.memory_space<hbm>> -> memref<512xi32, #tpu.memory_space<hbm>>
      tpu.wait_dma2 semaphore(%run_scoped3A : memref<!tpu.dma_semaphore, #tpu.memory_space<semaphore_mem>>) src(%dma_wait3A_397 : memref<512xi32, #tpu.memory_space<hbm>>) dst(%arg18 : memref<512xi32, #tpu.memory_space<vmem>>)
      tpu.yield
    }) : () -> ()
    %dma_start3A_87 = arith.constant 0 : i32
    %dma_start3A_88 = arith.constant 0 : i32
    %dma_start3A_89 = tpu.memref_slice %arg19[%dma_start3A_87, %dma_start3A_88] : memref<512x16xf32, #tpu.memory_space<vmem>> -> memref<128x16xf32, #tpu.memory_space<vmem>>
    %dma_start3A_90 = arith.constant 0 : i32
    %dma_start3A_91 = tpu.memref_slice %arg18[%dma_start3A_90] : memref<512xi32, #tpu.memory_space<vmem>> -> memref<128xi32, #tpu.memory_space<vmem>>
    %dma_start3A_92 = arith.constant 0 : i32
    %dma_start3A_93 = arith.constant 0 : i32
    %dma_start3A_94 = tpu.memref_slice %arg6[%dma_start3A_92, %dma_start3A_93] : memref<3x16xf32, #tpu.memory_space<hbm>> -> memref<3x16xf32, #tpu.memory_space<hbm>>
    tpu.enqueue_indirect_dma source(%dma_start3A_94 : memref<3x16xf32, #tpu.memory_space<hbm>>) target(%dma_start3A_89 : memref<128x16xf32, #tpu.memory_space<vmem>>) offsets(%dma_start3A_91 : memref<128xi32, #tpu.memory_space<vmem>>) semaphore(%arg21 : memref<!tpu.dma_semaphore, #tpu.memory_space<semaphore_mem>>)
    %dma_start3A_95 = arith.constant 128 : i32
    %dma_start3A_96 = arith.constant 0 : i32
    %dma_start3A_97 = tpu.memref_slice %arg19[%dma_start3A_95, %dma_start3A_96] : memref<512x16xf32, #tpu.memory_space<vmem>> -> memref<128x16xf32, #tpu.memory_space<vmem>>
    %dma_start3A_98 = arith.constant 128 : i32
    %dma_start3A_99 = tpu.memref_slice %arg18[%dma_start3A_98] : memref<512xi32, #tpu.memory_space<vmem>> -> memref<128xi32, #tpu.memory_space<vmem>>
    %dma_start3A_100 = arith.constant 0 : i32
    %dma_start3A_101 = arith.constant 0 : i32
    %dma_start3A_102 = tpu.memref_slice %arg6[%dma_start3A_100, %dma_start3A_101] : memref<3x16xf32, #tpu.memory_space<hbm>> -> memref<3x16xf32, #tpu.memory_space<hbm>>
    tpu.enqueue_indirect_dma source(%dma_start3A_102 : memref<3x16xf32, #tpu.memory_space<hbm>>) target(%dma_start3A_97 : memref<128x16xf32, #tpu.memory_space<vmem>>) offsets(%dma_start3A_99 : memref<128xi32, #tpu.memory_space<vmem>>) semaphore(%arg21 : memref<!tpu.dma_semaphore, #tpu.memory_space<semaphore_mem>>)
    %dma_start3A_103 = arith.constant 256 : i32
    %dma_start3A_104 = arith.constant 0 : i32
    %dma_start3A_105 = tpu.memref_slice %arg19[%dma_start3A_103, %dma_start3A_104] : memref<512x16xf32, #tpu.memory_space<vmem>> -> memref<128x16xf32, #tpu.memory_space<vmem>>
    %dma_start3A_106 = arith.constant 256 : i32
    %dma_start3A_107 = tpu.memref_slice %arg18[%dma_start3A_106] : memref<512xi32, #tpu.memory_space<vmem>> -> memref<128xi32, #tpu.memory_space<vmem>>
    %dma_start3A_108 = arith.constant 0 : i32
    %dma_start3A_109 = arith.constant 0 : i32
    %dma_start3A_110 = tpu.memref_slice %arg6[%dma_start3A_108, %dma_start3A_109] : memref<3x16xf32, #tpu.memory_space<hbm>> -> memref<3x16xf32, #tpu.memory_space<hbm>>
    tpu.enqueue_indirect_dma source(%dma_start3A_110 : memref<3x16xf32, #tpu.memory_space<hbm>>) target(%dma_start3A_105 : memref<128x16xf32, #tpu.memory_space<vmem>>) offsets(%dma_start3A_107 : memref<128xi32, #tpu.memory_space<vmem>>) semaphore(%arg21 : memref<!tpu.dma_semaphore, #tpu.memory_space<semaphore_mem>>)
    %dma_start3A_111 = arith.constant 384 : i32
    %dma_start3A_112 = arith.constant 0 : i32
    %dma_start3A_113 = tpu.memref_slice %arg19[%dma_start3A_111, %dma_start3A_112] : memref<512x16xf32, #tpu.memory_space<vmem>> -> memref<128x16xf32, #tpu.memory_space<vmem>>
    %dma_start3A_114 = arith.constant 384 : i32
    %dma_start3A_115 = tpu.memref_slice %arg18[%dma_start3A_114] : memref<512xi32, #tpu.memory_space<vmem>> -> memref<128xi32, #tpu.memory_space<vmem>>
    %dma_start3A_116 = arith.constant 0 : i32
    %dma_start3A_117 = arith.constant 0 : i32
    %dma_start3A_118 = tpu.memref_slice %arg6[%dma_start3A_116, %dma_start3A_117] : memref<3x16xf32, #tpu.memory_space<hbm>> -> memref<3x16xf32, #tpu.memory_space<hbm>>
    tpu.enqueue_indirect_dma source(%dma_start3A_118 : memref<3x16xf32, #tpu.memory_space<hbm>>) target(%dma_start3A_113 : memref<128x16xf32, #tpu.memory_space<vmem>>) offsets(%dma_start3A_115 : memref<128xi32, #tpu.memory_space<vmem>>) semaphore(%arg21 : memref<!tpu.dma_semaphore, #tpu.memory_space<semaphore_mem>>)
    %dma_wait3A_119 = arith.constant 0 : i32
    %dma_wait3A_120 = arith.constant 0 : i32
    %dma_wait3A_121 = tpu.memref_slice %arg8[%dma_wait3A_119, %dma_wait3A_120] : memref<1000000x16xf32, #tpu.memory_space<hbm>> -> memref<512x16xf32, #tpu.memory_space<hbm>>
    %dma_wait3A_122 = arith.constant 0 : i32
    %dma_wait3A_123 = arith.constant 0 : i32
    %dma_wait3A_124 = tpu.memref_slice %arg8[%dma_wait3A_122, %dma_wait3A_123] : memref<1000000x16xf32, #tpu.memory_space<hbm>> -> memref<512x16xf32, #tpu.memory_space<hbm>>
    tpu.wait_dma2 semaphore(%arg21 : memref<!tpu.dma_semaphore, #tpu.memory_space<semaphore_mem>>) src(%dma_wait3A_124 : memref<512x16xf32, #tpu.memory_space<hbm>>) dst(%arg19 : memref<512x16xf32, #tpu.memory_space<vmem>>)
    %add3A_125 = arith.constant 32768 : i32
    %add3A_126 = arith.addi %add3A_125, %mul3A_2 : i32
    "tpu.region"() ({
      %run_scoped3A = tpu.sem_alloc : memref<!tpu.dma_semaphore, #tpu.memory_space<semaphore_mem>>
      %dma_start3A_394 = arith.constant 0 : i32
      %dma_start3A_395 = tpu.memref_slice %arg13[%add3A_126, %dma_start3A_394] : memref<163840x16xf32, #tpu.memory_space<hbm>> -> memref<512x16xf32, #tpu.memory_space<hbm>>
      %dma_start3A_396 = arith.constant 0 : i32
      %dma_start3A_397 = tpu.memref_slice %arg13[%add3A_126, %dma_start3A_396] : memref<163840x16xf32, #tpu.memory_space<hbm>> -> memref<512x16xf32, #tpu.memory_space<hbm>>
      tpu.enqueue_dma source(%arg19 : memref<512x16xf32, #tpu.memory_space<vmem>>) target(%dma_start3A_397 : memref<512x16xf32, #tpu.memory_space<hbm>>) target_semaphore(%run_scoped3A : memref<!tpu.dma_semaphore, #tpu.memory_space<semaphore_mem>>)
      %dma_wait3A_398 = arith.constant 0 : i32
      %dma_wait3A_399 = tpu.memref_slice %arg13[%add3A_126, %dma_wait3A_398] : memref<163840x16xf32, #tpu.memory_space<hbm>> -> memref<512x16xf32, #tpu.memory_space<hbm>>
      %dma_wait3A_400 = arith.constant 0 : i32
      %dma_wait3A_401 = tpu.memref_slice %arg13[%add3A_126, %dma_wait3A_400] : memref<163840x16xf32, #tpu.memory_space<hbm>> -> memref<512x16xf32, #tpu.memory_space<hbm>>
      tpu.wait_dma2 semaphore(%run_scoped3A : memref<!tpu.dma_semaphore, #tpu.memory_space<semaphore_mem>>) src(%arg19 : memref<512x16xf32, #tpu.memory_space<vmem>>) dst(%dma_wait3A_401 : memref<512x16xf32, #tpu.memory_space<hbm>>)
      tpu.yield
    }) : () -> ()
    %add3A_127 = arith.constant 49152 : i32
    %add3A_128 = arith.addi %add3A_127, %mul3A_2 : i32
    "tpu.region"() ({
      %run_scoped3A = tpu.sem_alloc : memref<!tpu.dma_semaphore, #tpu.memory_space<semaphore_mem>>
      %dma_start3A_394 = tpu.memref_slice %arg3[%add3A_128] : memref<147456xi32, #tpu.memory_space<hbm>> -> memref<512xi32, #tpu.memory_space<hbm>>
      %dma_start3A_395 = tpu.memref_slice %arg3[%add3A_128] : memref<147456xi32, #tpu.memory_space<hbm>> -> memref<512xi32, #tpu.memory_space<hbm>>
      tpu.enqueue_dma source(%dma_start3A_395 : memref<512xi32, #tpu.memory_space<hbm>>) target(%arg18 : memref<512xi32, #tpu.memory_space<vmem>>) target_semaphore(%run_scoped3A : memref<!tpu.dma_semaphore, #tpu.memory_space<semaphore_mem>>)
      %dma_wait3A_396 = tpu.memref_slice %arg3[%add3A_128] : memref<147456xi32, #tpu.memory_space<hbm>> -> memref<512xi32, #tpu.memory_space<hbm>>
      %dma_wait3A_397 = tpu.memref_slice %arg3[%add3A_128] : memref<147456xi32, #tpu.memory_space<hbm>> -> memref<512xi32, #tpu.memory_space<hbm>>
      tpu.wait_dma2 semaphore(%run_scoped3A : memref<!tpu.dma_semaphore, #tpu.memory_space<semaphore_mem>>) src(%dma_wait3A_397 : memref<512xi32, #tpu.memory_space<hbm>>) dst(%arg18 : memref<512xi32, #tpu.memory_space<vmem>>)
      tpu.yield
    }) : () -> ()
    %dma_start3A_129 = arith.constant 0 : i32
    %dma_start3A_130 = arith.constant 0 : i32
    %dma_start3A_131 = tpu.memref_slice %arg19[%dma_start3A_129, %dma_start3A_130] : memref<512x16xf32, #tpu.memory_space<vmem>> -> memref<128x16xf32, #tpu.memory_space<vmem>>
    %dma_start3A_132 = arith.constant 0 : i32
    %dma_start3A_133 = tpu.memref_slice %arg18[%dma_start3A_132] : memref<512xi32, #tpu.memory_space<vmem>> -> memref<128xi32, #tpu.memory_space<vmem>>
    %dma_start3A_134 = arith.constant 0 : i32
    %dma_start3A_135 = arith.constant 0 : i32
    %dma_start3A_136 = tpu.memref_slice %arg7[%dma_start3A_134, %dma_start3A_135] : memref<1000x16xf32, #tpu.memory_space<hbm>> -> memref<1000x16xf32, #tpu.memory_space<hbm>>
    tpu.enqueue_indirect_dma source(%dma_start3A_136 : memref<1000x16xf32, #tpu.memory_space<hbm>>) target(%dma_start3A_131 : memref<128x16xf32, #tpu.memory_space<vmem>>) offsets(%dma_start3A_133 : memref<128xi32, #tpu.memory_space<vmem>>) semaphore(%arg21 : memref<!tpu.dma_semaphore, #tpu.memory_space<semaphore_mem>>)
    %dma_start3A_137 = arith.constant 128 : i32
    %dma_start3A_138 = arith.constant 0 : i32
    %dma_start3A_139 = tpu.memref_slice %arg19[%dma_start3A_137, %dma_start3A_138] : memref<512x16xf32, #tpu.memory_space<vmem>> -> memref<128x16xf32, #tpu.memory_space<vmem>>
    %dma_start3A_140 = arith.constant 128 : i32
    %dma_start3A_141 = tpu.memref_slice %arg18[%dma_start3A_140] : memref<512xi32, #tpu.memory_space<vmem>> -> memref<128xi32, #tpu.memory_space<vmem>>
    %dma_start3A_142 = arith.constant 0 : i32
    %dma_start3A_143 = arith.constant 0 : i32
    %dma_start3A_144 = tpu.memref_slice %arg7[%dma_start3A_142, %dma_start3A_143] : memref<1000x16xf32, #tpu.memory_space<hbm>> -> memref<1000x16xf32, #tpu.memory_space<hbm>>
    tpu.enqueue_indirect_dma source(%dma_start3A_144 : memref<1000x16xf32, #tpu.memory_space<hbm>>) target(%dma_start3A_139 : memref<128x16xf32, #tpu.memory_space<vmem>>) offsets(%dma_start3A_141 : memref<128xi32, #tpu.memory_space<vmem>>) semaphore(%arg21 : memref<!tpu.dma_semaphore, #tpu.memory_space<semaphore_mem>>)
    %dma_start3A_145 = arith.constant 256 : i32
    %dma_start3A_146 = arith.constant 0 : i32
    %dma_start3A_147 = tpu.memref_slice %arg19[%dma_start3A_145, %dma_start3A_146] : memref<512x16xf32, #tpu.memory_space<vmem>> -> memref<128x16xf32, #tpu.memory_space<vmem>>
    %dma_start3A_148 = arith.constant 256 : i32
    %dma_start3A_149 = tpu.memref_slice %arg18[%dma_start3A_148] : memref<512xi32, #tpu.memory_space<vmem>> -> memref<128xi32, #tpu.memory_space<vmem>>
    %dma_start3A_150 = arith.constant 0 : i32
    %dma_start3A_151 = arith.constant 0 : i32
    %dma_start3A_152 = tpu.memref_slice %arg7[%dma_start3A_150, %dma_start3A_151] : memref<1000x16xf32, #tpu.memory_space<hbm>> -> memref<1000x16xf32, #tpu.memory_space<hbm>>
    tpu.enqueue_indirect_dma source(%dma_start3A_152 : memref<1000x16xf32, #tpu.memory_space<hbm>>) target(%dma_start3A_147 : memref<128x16xf32, #tpu.memory_space<vmem>>) offsets(%dma_start3A_149 : memref<128xi32, #tpu.memory_space<vmem>>) semaphore(%arg21 : memref<!tpu.dma_semaphore, #tpu.memory_space<semaphore_mem>>)
    %dma_start3A_153 = arith.constant 384 : i32
    %dma_start3A_154 = arith.constant 0 : i32
    %dma_start3A_155 = tpu.memref_slice %arg19[%dma_start3A_153, %dma_start3A_154] : memref<512x16xf32, #tpu.memory_space<vmem>> -> memref<128x16xf32, #tpu.memory_space<vmem>>
    %dma_start3A_156 = arith.constant 384 : i32
    %dma_start3A_157 = tpu.memref_slice %arg18[%dma_start3A_156] : memref<512xi32, #tpu.memory_space<vmem>> -> memref<128xi32, #tpu.memory_space<vmem>>
    %dma_start3A_158 = arith.constant 0 : i32
    %dma_start3A_159 = arith.constant 0 : i32
    %dma_start3A_160 = tpu.memref_slice %arg7[%dma_start3A_158, %dma_start3A_159] : memref<1000x16xf32, #tpu.memory_space<hbm>> -> memref<1000x16xf32, #tpu.memory_space<hbm>>
    tpu.enqueue_indirect_dma source(%dma_start3A_160 : memref<1000x16xf32, #tpu.memory_space<hbm>>) target(%dma_start3A_155 : memref<128x16xf32, #tpu.memory_space<vmem>>) offsets(%dma_start3A_157 : memref<128xi32, #tpu.memory_space<vmem>>) semaphore(%arg21 : memref<!tpu.dma_semaphore, #tpu.memory_space<semaphore_mem>>)
    %dma_wait3A_161 = arith.constant 0 : i32
    %dma_wait3A_162 = arith.constant 0 : i32
    %dma_wait3A_163 = tpu.memref_slice %arg8[%dma_wait3A_161, %dma_wait3A_162] : memref<1000000x16xf32, #tpu.memory_space<hbm>> -> memref<512x16xf32, #tpu.memory_space<hbm>>
    %dma_wait3A_164 = arith.constant 0 : i32
    %dma_wait3A_165 = arith.constant 0 : i32
    %dma_wait3A_166 = tpu.memref_slice %arg8[%dma_wait3A_164, %dma_wait3A_165] : memref<1000000x16xf32, #tpu.memory_space<hbm>> -> memref<512x16xf32, #tpu.memory_space<hbm>>
    tpu.wait_dma2 semaphore(%arg21 : memref<!tpu.dma_semaphore, #tpu.memory_space<semaphore_mem>>) src(%dma_wait3A_166 : memref<512x16xf32, #tpu.memory_space<hbm>>) dst(%arg19 : memref<512x16xf32, #tpu.memory_space<vmem>>)
    %add3A_167 = arith.constant 49152 : i32
    %add3A_168 = arith.addi %add3A_167, %mul3A_2 : i32
    "tpu.region"() ({
      %run_scoped3A = tpu.sem_alloc : memref<!tpu.dma_semaphore, #tpu.memory_space<semaphore_mem>>
      %dma_start3A_394 = arith.constant 0 : i32
      %dma_start3A_395 = tpu.memref_slice %arg13[%add3A_168, %dma_start3A_394] : memref<163840x16xf32, #tpu.memory_space<hbm>> -> memref<512x16xf32, #tpu.memory_space<hbm>>
      %dma_start3A_396 = arith.constant 0 : i32
      %dma_start3A_397 = tpu.memref_slice %arg13[%add3A_168, %dma_start3A_396] : memref<163840x16xf32, #tpu.memory_space<hbm>> -> memref<512x16xf32, #tpu.memory_space<hbm>>
      tpu.enqueue_dma source(%arg19 : memref<512x16xf32, #tpu.memory_space<vmem>>) target(%dma_start3A_397 : memref<512x16xf32, #tpu.memory_space<hbm>>) target_semaphore(%run_scoped3A : memref<!tpu.dma_semaphore, #tpu.memory_space<semaphore_mem>>)
      %dma_wait3A_398 = arith.constant 0 : i32
      %dma_wait3A_399 = tpu.memref_slice %arg13[%add3A_168, %dma_wait3A_398] : memref<163840x16xf32, #tpu.memory_space<hbm>> -> memref<512x16xf32, #tpu.memory_space<hbm>>
      %dma_wait3A_400 = arith.constant 0 : i32
      %dma_wait3A_401 = tpu.memref_slice %arg13[%add3A_168, %dma_wait3A_400] : memref<163840x16xf32, #tpu.memory_space<hbm>> -> memref<512x16xf32, #tpu.memory_space<hbm>>
      tpu.wait_dma2 semaphore(%run_scoped3A : memref<!tpu.dma_semaphore, #tpu.memory_space<semaphore_mem>>) src(%arg19 : memref<512x16xf32, #tpu.memory_space<vmem>>) dst(%dma_wait3A_401 : memref<512x16xf32, #tpu.memory_space<hbm>>)
      tpu.yield
    }) : () -> ()
    %add3A_169 = arith.constant 65536 : i32
    %add3A_170 = arith.addi %add3A_169, %mul3A_2 : i32
    "tpu.region"() ({
      %run_scoped3A = tpu.sem_alloc : memref<!tpu.dma_semaphore, #tpu.memory_space<semaphore_mem>>
      %dma_start3A_394 = tpu.memref_slice %arg3[%add3A_170] : memref<147456xi32, #tpu.memory_space<hbm>> -> memref<512xi32, #tpu.memory_space<hbm>>
      %dma_start3A_395 = tpu.memref_slice %arg3[%add3A_170] : memref<147456xi32, #tpu.memory_space<hbm>> -> memref<512xi32, #tpu.memory_space<hbm>>
      tpu.enqueue_dma source(%dma_start3A_395 : memref<512xi32, #tpu.memory_space<hbm>>) target(%arg18 : memref<512xi32, #tpu.memory_space<vmem>>) target_semaphore(%run_scoped3A : memref<!tpu.dma_semaphore, #tpu.memory_space<semaphore_mem>>)
      %dma_wait3A_396 = tpu.memref_slice %arg3[%add3A_170] : memref<147456xi32, #tpu.memory_space<hbm>> -> memref<512xi32, #tpu.memory_space<hbm>>
      %dma_wait3A_397 = tpu.memref_slice %arg3[%add3A_170] : memref<147456xi32, #tpu.memory_space<hbm>> -> memref<512xi32, #tpu.memory_space<hbm>>
      tpu.wait_dma2 semaphore(%run_scoped3A : memref<!tpu.dma_semaphore, #tpu.memory_space<semaphore_mem>>) src(%dma_wait3A_397 : memref<512xi32, #tpu.memory_space<hbm>>) dst(%arg18 : memref<512xi32, #tpu.memory_space<vmem>>)
      tpu.yield
    }) : () -> ()
    %dma_start3A_171 = arith.constant 0 : i32
    %dma_start3A_172 = arith.constant 0 : i32
    %dma_start3A_173 = tpu.memref_slice %arg19[%dma_start3A_171, %dma_start3A_172] : memref<512x16xf32, #tpu.memory_space<vmem>> -> memref<128x16xf32, #tpu.memory_space<vmem>>
    %dma_start3A_174 = arith.constant 0 : i32
    %dma_start3A_175 = tpu.memref_slice %arg18[%dma_start3A_174] : memref<512xi32, #tpu.memory_space<vmem>> -> memref<128xi32, #tpu.memory_space<vmem>>
    %dma_start3A_176 = arith.constant 0 : i32
    %dma_start3A_177 = arith.constant 0 : i32
    %dma_start3A_178 = tpu.memref_slice %arg8[%dma_start3A_176, %dma_start3A_177] : memref<1000000x16xf32, #tpu.memory_space<hbm>> -> memref<1000000x16xf32, #tpu.memory_space<hbm>>
    tpu.enqueue_indirect_dma source(%dma_start3A_178 : memref<1000000x16xf32, #tpu.memory_space<hbm>>) target(%dma_start3A_173 : memref<128x16xf32, #tpu.memory_space<vmem>>) offsets(%dma_start3A_175 : memref<128xi32, #tpu.memory_space<vmem>>) semaphore(%arg21 : memref<!tpu.dma_semaphore, #tpu.memory_space<semaphore_mem>>)
    %dma_start3A_179 = arith.constant 128 : i32
    %dma_start3A_180 = arith.constant 0 : i32
    %dma_start3A_181 = tpu.memref_slice %arg19[%dma_start3A_179, %dma_start3A_180] : memref<512x16xf32, #tpu.memory_space<vmem>> -> memref<128x16xf32, #tpu.memory_space<vmem>>
    %dma_start3A_182 = arith.constant 128 : i32
    %dma_start3A_183 = tpu.memref_slice %arg18[%dma_start3A_182] : memref<512xi32, #tpu.memory_space<vmem>> -> memref<128xi32, #tpu.memory_space<vmem>>
    %dma_start3A_184 = arith.constant 0 : i32
    %dma_start3A_185 = arith.constant 0 : i32
    %dma_start3A_186 = tpu.memref_slice %arg8[%dma_start3A_184, %dma_start3A_185] : memref<1000000x16xf32, #tpu.memory_space<hbm>> -> memref<1000000x16xf32, #tpu.memory_space<hbm>>
    tpu.enqueue_indirect_dma source(%dma_start3A_186 : memref<1000000x16xf32, #tpu.memory_space<hbm>>) target(%dma_start3A_181 : memref<128x16xf32, #tpu.memory_space<vmem>>) offsets(%dma_start3A_183 : memref<128xi32, #tpu.memory_space<vmem>>) semaphore(%arg21 : memref<!tpu.dma_semaphore, #tpu.memory_space<semaphore_mem>>)
    %dma_start3A_187 = arith.constant 256 : i32
    %dma_start3A_188 = arith.constant 0 : i32
    %dma_start3A_189 = tpu.memref_slice %arg19[%dma_start3A_187, %dma_start3A_188] : memref<512x16xf32, #tpu.memory_space<vmem>> -> memref<128x16xf32, #tpu.memory_space<vmem>>
    %dma_start3A_190 = arith.constant 256 : i32
    %dma_start3A_191 = tpu.memref_slice %arg18[%dma_start3A_190] : memref<512xi32, #tpu.memory_space<vmem>> -> memref<128xi32, #tpu.memory_space<vmem>>
    %dma_start3A_192 = arith.constant 0 : i32
    %dma_start3A_193 = arith.constant 0 : i32
    %dma_start3A_194 = tpu.memref_slice %arg8[%dma_start3A_192, %dma_start3A_193] : memref<1000000x16xf32, #tpu.memory_space<hbm>> -> memref<1000000x16xf32, #tpu.memory_space<hbm>>
    tpu.enqueue_indirect_dma source(%dma_start3A_194 : memref<1000000x16xf32, #tpu.memory_space<hbm>>) target(%dma_start3A_189 : memref<128x16xf32, #tpu.memory_space<vmem>>) offsets(%dma_start3A_191 : memref<128xi32, #tpu.memory_space<vmem>>) semaphore(%arg21 : memref<!tpu.dma_semaphore, #tpu.memory_space<semaphore_mem>>)
    %dma_start3A_195 = arith.constant 384 : i32
    %dma_start3A_196 = arith.constant 0 : i32
    %dma_start3A_197 = tpu.memref_slice %arg19[%dma_start3A_195, %dma_start3A_196] : memref<512x16xf32, #tpu.memory_space<vmem>> -> memref<128x16xf32, #tpu.memory_space<vmem>>
    %dma_start3A_198 = arith.constant 384 : i32
    %dma_start3A_199 = tpu.memref_slice %arg18[%dma_start3A_198] : memref<512xi32, #tpu.memory_space<vmem>> -> memref<128xi32, #tpu.memory_space<vmem>>
    %dma_start3A_200 = arith.constant 0 : i32
    %dma_start3A_201 = arith.constant 0 : i32
    %dma_start3A_202 = tpu.memref_slice %arg8[%dma_start3A_200, %dma_start3A_201] : memref<1000000x16xf32, #tpu.memory_space<hbm>> -> memref<1000000x16xf32, #tpu.memory_space<hbm>>
    tpu.enqueue_indirect_dma source(%dma_start3A_202 : memref<1000000x16xf32, #tpu.memory_space<hbm>>) target(%dma_start3A_197 : memref<128x16xf32, #tpu.memory_space<vmem>>) offsets(%dma_start3A_199 : memref<128xi32, #tpu.memory_space<vmem>>) semaphore(%arg21 : memref<!tpu.dma_semaphore, #tpu.memory_space<semaphore_mem>>)
    %dma_wait3A_203 = arith.constant 0 : i32
    %dma_wait3A_204 = arith.constant 0 : i32
    %dma_wait3A_205 = tpu.memref_slice %arg8[%dma_wait3A_203, %dma_wait3A_204] : memref<1000000x16xf32, #tpu.memory_space<hbm>> -> memref<512x16xf32, #tpu.memory_space<hbm>>
    %dma_wait3A_206 = arith.constant 0 : i32
    %dma_wait3A_207 = arith.constant 0 : i32
    %dma_wait3A_208 = tpu.memref_slice %arg8[%dma_wait3A_206, %dma_wait3A_207] : memref<1000000x16xf32, #tpu.memory_space<hbm>> -> memref<512x16xf32, #tpu.memory_space<hbm>>
    tpu.wait_dma2 semaphore(%arg21 : memref<!tpu.dma_semaphore, #tpu.memory_space<semaphore_mem>>) src(%dma_wait3A_208 : memref<512x16xf32, #tpu.memory_space<hbm>>) dst(%arg19 : memref<512x16xf32, #tpu.memory_space<vmem>>)
    %add3A_209 = arith.constant 81920 : i32
    %add3A_210 = arith.addi %add3A_209, %mul3A_2 : i32
    "tpu.region"() ({
      %run_scoped3A = tpu.sem_alloc : memref<!tpu.dma_semaphore, #tpu.memory_space<semaphore_mem>>
      %dma_start3A_394 = arith.constant 0 : i32
      %dma_start3A_395 = tpu.memref_slice %arg13[%add3A_210, %dma_start3A_394] : memref<163840x16xf32, #tpu.memory_space<hbm>> -> memref<512x16xf32, #tpu.memory_space<hbm>>
      %dma_start3A_396 = arith.constant 0 : i32
      %dma_start3A_397 = tpu.memref_slice %arg13[%add3A_210, %dma_start3A_396] : memref<163840x16xf32, #tpu.memory_space<hbm>> -> memref<512x16xf32, #tpu.memory_space<hbm>>
      tpu.enqueue_dma source(%arg19 : memref<512x16xf32, #tpu.memory_space<vmem>>) target(%dma_start3A_397 : memref<512x16xf32, #tpu.memory_space<hbm>>) target_semaphore(%run_scoped3A : memref<!tpu.dma_semaphore, #tpu.memory_space<semaphore_mem>>)
      %dma_wait3A_398 = arith.constant 0 : i32
      %dma_wait3A_399 = tpu.memref_slice %arg13[%add3A_210, %dma_wait3A_398] : memref<163840x16xf32, #tpu.memory_space<hbm>> -> memref<512x16xf32, #tpu.memory_space<hbm>>
      %dma_wait3A_400 = arith.constant 0 : i32
      %dma_wait3A_401 = tpu.memref_slice %arg13[%add3A_210, %dma_wait3A_400] : memref<163840x16xf32, #tpu.memory_space<hbm>> -> memref<512x16xf32, #tpu.memory_space<hbm>>
      tpu.wait_dma2 semaphore(%run_scoped3A : memref<!tpu.dma_semaphore, #tpu.memory_space<semaphore_mem>>) src(%arg19 : memref<512x16xf32, #tpu.memory_space<vmem>>) dst(%dma_wait3A_401 : memref<512x16xf32, #tpu.memory_space<hbm>>)
      tpu.yield
    }) : () -> ()
    %add3A_211 = arith.constant 81920 : i32
    %add3A_212 = arith.addi %add3A_211, %mul3A_2 : i32
    "tpu.region"() ({
      %run_scoped3A = tpu.sem_alloc : memref<!tpu.dma_semaphore, #tpu.memory_space<semaphore_mem>>
      %dma_start3A_394 = tpu.memref_slice %arg3[%add3A_212] : memref<147456xi32, #tpu.memory_space<hbm>> -> memref<512xi32, #tpu.memory_space<hbm>>
      %dma_start3A_395 = tpu.memref_slice %arg3[%add3A_212] : memref<147456xi32, #tpu.memory_space<hbm>> -> memref<512xi32, #tpu.memory_space<hbm>>
      tpu.enqueue_dma source(%dma_start3A_395 : memref<512xi32, #tpu.memory_space<hbm>>) target(%arg18 : memref<512xi32, #tpu.memory_space<vmem>>) target_semaphore(%run_scoped3A : memref<!tpu.dma_semaphore, #tpu.memory_space<semaphore_mem>>)
      %dma_wait3A_396 = tpu.memref_slice %arg3[%add3A_212] : memref<147456xi32, #tpu.memory_space<hbm>> -> memref<512xi32, #tpu.memory_space<hbm>>
      %dma_wait3A_397 = tpu.memref_slice %arg3[%add3A_212] : memref<147456xi32, #tpu.memory_space<hbm>> -> memref<512xi32, #tpu.memory_space<hbm>>
      tpu.wait_dma2 semaphore(%run_scoped3A : memref<!tpu.dma_semaphore, #tpu.memory_space<semaphore_mem>>) src(%dma_wait3A_397 : memref<512xi32, #tpu.memory_space<hbm>>) dst(%arg18 : memref<512xi32, #tpu.memory_space<vmem>>)
      tpu.yield
    }) : () -> ()
    %dma_start3A_213 = arith.constant 0 : i32
    %dma_start3A_214 = arith.constant 0 : i32
    %dma_start3A_215 = tpu.memref_slice %arg19[%dma_start3A_213, %dma_start3A_214] : memref<512x16xf32, #tpu.memory_space<vmem>> -> memref<128x16xf32, #tpu.memory_space<vmem>>
    %dma_start3A_216 = arith.constant 0 : i32
    %dma_start3A_217 = tpu.memref_slice %arg18[%dma_start3A_216] : memref<512xi32, #tpu.memory_space<vmem>> -> memref<128xi32, #tpu.memory_space<vmem>>
    %dma_start3A_218 = arith.constant 0 : i32
    %dma_start3A_219 = arith.constant 0 : i32
    %dma_start3A_220 = tpu.memref_slice %arg9[%dma_start3A_218, %dma_start3A_219] : memref<1000x16xf32, #tpu.memory_space<hbm>> -> memref<1000x16xf32, #tpu.memory_space<hbm>>
    tpu.enqueue_indirect_dma source(%dma_start3A_220 : memref<1000x16xf32, #tpu.memory_space<hbm>>) target(%dma_start3A_215 : memref<128x16xf32, #tpu.memory_space<vmem>>) offsets(%dma_start3A_217 : memref<128xi32, #tpu.memory_space<vmem>>) semaphore(%arg21 : memref<!tpu.dma_semaphore, #tpu.memory_space<semaphore_mem>>)
    %dma_start3A_221 = arith.constant 128 : i32
    %dma_start3A_222 = arith.constant 0 : i32
    %dma_start3A_223 = tpu.memref_slice %arg19[%dma_start3A_221, %dma_start3A_222] : memref<512x16xf32, #tpu.memory_space<vmem>> -> memref<128x16xf32, #tpu.memory_space<vmem>>
    %dma_start3A_224 = arith.constant 128 : i32
    %dma_start3A_225 = tpu.memref_slice %arg18[%dma_start3A_224] : memref<512xi32, #tpu.memory_space<vmem>> -> memref<128xi32, #tpu.memory_space<vmem>>
    %dma_start3A_226 = arith.constant 0 : i32
    %dma_start3A_227 = arith.constant 0 : i32
    %dma_start3A_228 = tpu.memref_slice %arg9[%dma_start3A_226, %dma_start3A_227] : memref<1000x16xf32, #tpu.memory_space<hbm>> -> memref<1000x16xf32, #tpu.memory_space<hbm>>
    tpu.enqueue_indirect_dma source(%dma_start3A_228 : memref<1000x16xf32, #tpu.memory_space<hbm>>) target(%dma_start3A_223 : memref<128x16xf32, #tpu.memory_space<vmem>>) offsets(%dma_start3A_225 : memref<128xi32, #tpu.memory_space<vmem>>) semaphore(%arg21 : memref<!tpu.dma_semaphore, #tpu.memory_space<semaphore_mem>>)
    %dma_start3A_229 = arith.constant 256 : i32
    %dma_start3A_230 = arith.constant 0 : i32
    %dma_start3A_231 = tpu.memref_slice %arg19[%dma_start3A_229, %dma_start3A_230] : memref<512x16xf32, #tpu.memory_space<vmem>> -> memref<128x16xf32, #tpu.memory_space<vmem>>
    %dma_start3A_232 = arith.constant 256 : i32
    %dma_start3A_233 = tpu.memref_slice %arg18[%dma_start3A_232] : memref<512xi32, #tpu.memory_space<vmem>> -> memref<128xi32, #tpu.memory_space<vmem>>
    %dma_start3A_234 = arith.constant 0 : i32
    %dma_start3A_235 = arith.constant 0 : i32
    %dma_start3A_236 = tpu.memref_slice %arg9[%dma_start3A_234, %dma_start3A_235] : memref<1000x16xf32, #tpu.memory_space<hbm>> -> memref<1000x16xf32, #tpu.memory_space<hbm>>
    tpu.enqueue_indirect_dma source(%dma_start3A_236 : memref<1000x16xf32, #tpu.memory_space<hbm>>) target(%dma_start3A_231 : memref<128x16xf32, #tpu.memory_space<vmem>>) offsets(%dma_start3A_233 : memref<128xi32, #tpu.memory_space<vmem>>) semaphore(%arg21 : memref<!tpu.dma_semaphore, #tpu.memory_space<semaphore_mem>>)
    %dma_start3A_237 = arith.constant 384 : i32
    %dma_start3A_238 = arith.constant 0 : i32
    %dma_start3A_239 = tpu.memref_slice %arg19[%dma_start3A_237, %dma_start3A_238] : memref<512x16xf32, #tpu.memory_space<vmem>> -> memref<128x16xf32, #tpu.memory_space<vmem>>
    %dma_start3A_240 = arith.constant 384 : i32
    %dma_start3A_241 = tpu.memref_slice %arg18[%dma_start3A_240] : memref<512xi32, #tpu.memory_space<vmem>> -> memref<128xi32, #tpu.memory_space<vmem>>
    %dma_start3A_242 = arith.constant 0 : i32
    %dma_start3A_243 = arith.constant 0 : i32
    %dma_start3A_244 = tpu.memref_slice %arg9[%dma_start3A_242, %dma_start3A_243] : memref<1000x16xf32, #tpu.memory_space<hbm>> -> memref<1000x16xf32, #tpu.memory_space<hbm>>
    tpu.enqueue_indirect_dma source(%dma_start3A_244 : memref<1000x16xf32, #tpu.memory_space<hbm>>) target(%dma_start3A_239 : memref<128x16xf32, #tpu.memory_space<vmem>>) offsets(%dma_start3A_241 : memref<128xi32, #tpu.memory_space<vmem>>) semaphore(%arg21 : memref<!tpu.dma_semaphore, #tpu.memory_space<semaphore_mem>>)
    %dma_wait3A_245 = arith.constant 0 : i32
    %dma_wait3A_246 = arith.constant 0 : i32
    %dma_wait3A_247 = tpu.memref_slice %arg8[%dma_wait3A_245, %dma_wait3A_246] : memref<1000000x16xf32, #tpu.memory_space<hbm>> -> memref<512x16xf32, #tpu.memory_space<hbm>>
    %dma_wait3A_248 = arith.constant 0 : i32
    %dma_wait3A_249 = arith.constant 0 : i32
    %dma_wait3A_250 = tpu.memref_slice %arg8[%dma_wait3A_248, %dma_wait3A_249] : memref<1000000x16xf32, #tpu.memory_space<hbm>> -> memref<512x16xf32, #tpu.memory_space<hbm>>
    tpu.wait_dma2 semaphore(%arg21 : memref<!tpu.dma_semaphore, #tpu.memory_space<semaphore_mem>>) src(%dma_wait3A_250 : memref<512x16xf32, #tpu.memory_space<hbm>>) dst(%arg19 : memref<512x16xf32, #tpu.memory_space<vmem>>)
    %add3A_251 = arith.constant 98304 : i32
    %add3A_252 = arith.addi %add3A_251, %mul3A_2 : i32
    "tpu.region"() ({
      %run_scoped3A = tpu.sem_alloc : memref<!tpu.dma_semaphore, #tpu.memory_space<semaphore_mem>>
      %dma_start3A_394 = arith.constant 0 : i32
      %dma_start3A_395 = tpu.memref_slice %arg13[%add3A_252, %dma_start3A_394] : memref<163840x16xf32, #tpu.memory_space<hbm>> -> memref<512x16xf32, #tpu.memory_space<hbm>>
      %dma_start3A_396 = arith.constant 0 : i32
      %dma_start3A_397 = tpu.memref_slice %arg13[%add3A_252, %dma_start3A_396] : memref<163840x16xf32, #tpu.memory_space<hbm>> -> memref<512x16xf32, #tpu.memory_space<hbm>>
      tpu.enqueue_dma source(%arg19 : memref<512x16xf32, #tpu.memory_space<vmem>>) target(%dma_start3A_397 : memref<512x16xf32, #tpu.memory_space<hbm>>) target_semaphore(%run_scoped3A : memref<!tpu.dma_semaphore, #tpu.memory_space<semaphore_mem>>)
      %dma_wait3A_398 = arith.constant 0 : i32
      %dma_wait3A_399 = tpu.memref_slice %arg13[%add3A_252, %dma_wait3A_398] : memref<163840x16xf32, #tpu.memory_space<hbm>> -> memref<512x16xf32, #tpu.memory_space<hbm>>
      %dma_wait3A_400 = arith.constant 0 : i32
      %dma_wait3A_401 = tpu.memref_slice %arg13[%add3A_252, %dma_wait3A_400] : memref<163840x16xf32, #tpu.memory_space<hbm>> -> memref<512x16xf32, #tpu.memory_space<hbm>>
      tpu.wait_dma2 semaphore(%run_scoped3A : memref<!tpu.dma_semaphore, #tpu.memory_space<semaphore_mem>>) src(%arg19 : memref<512x16xf32, #tpu.memory_space<vmem>>) dst(%dma_wait3A_401 : memref<512x16xf32, #tpu.memory_space<hbm>>)
      tpu.yield
    }) : () -> ()
    %add3A_253 = arith.constant 98304 : i32
    %add3A_254 = arith.addi %add3A_253, %mul3A_2 : i32
    "tpu.region"() ({
      %run_scoped3A = tpu.sem_alloc : memref<!tpu.dma_semaphore, #tpu.memory_space<semaphore_mem>>
      %dma_start3A_394 = tpu.memref_slice %arg3[%add3A_254] : memref<147456xi32, #tpu.memory_space<hbm>> -> memref<512xi32, #tpu.memory_space<hbm>>
      %dma_start3A_395 = tpu.memref_slice %arg3[%add3A_254] : memref<147456xi32, #tpu.memory_space<hbm>> -> memref<512xi32, #tpu.memory_space<hbm>>
      tpu.enqueue_dma source(%dma_start3A_395 : memref<512xi32, #tpu.memory_space<hbm>>) target(%arg18 : memref<512xi32, #tpu.memory_space<vmem>>) target_semaphore(%run_scoped3A : memref<!tpu.dma_semaphore, #tpu.memory_space<semaphore_mem>>)
      %dma_wait3A_396 = tpu.memref_slice %arg3[%add3A_254] : memref<147456xi32, #tpu.memory_space<hbm>> -> memref<512xi32, #tpu.memory_space<hbm>>
      %dma_wait3A_397 = tpu.memref_slice %arg3[%add3A_254] : memref<147456xi32, #tpu.memory_space<hbm>> -> memref<512xi32, #tpu.memory_space<hbm>>
      tpu.wait_dma2 semaphore(%run_scoped3A : memref<!tpu.dma_semaphore, #tpu.memory_space<semaphore_mem>>) src(%dma_wait3A_397 : memref<512xi32, #tpu.memory_space<hbm>>) dst(%arg18 : memref<512xi32, #tpu.memory_space<vmem>>)
      tpu.yield
    }) : () -> ()
    %dma_start3A_255 = arith.constant 0 : i32
    %dma_start3A_256 = arith.constant 0 : i32
    %dma_start3A_257 = tpu.memref_slice %arg19[%dma_start3A_255, %dma_start3A_256] : memref<512x16xf32, #tpu.memory_space<vmem>> -> memref<128x16xf32, #tpu.memory_space<vmem>>
    %dma_start3A_258 = arith.constant 0 : i32
    %dma_start3A_259 = tpu.memref_slice %arg18[%dma_start3A_258] : memref<512xi32, #tpu.memory_space<vmem>> -> memref<128xi32, #tpu.memory_space<vmem>>
    %dma_start3A_260 = arith.constant 0 : i32
    %dma_start3A_261 = arith.constant 0 : i32
    %dma_start3A_262 = tpu.memref_slice %arg10[%dma_start3A_260, %dma_start3A_261] : memref<100000x16xf32, #tpu.memory_space<hbm>> -> memref<100000x16xf32, #tpu.memory_space<hbm>>
    tpu.enqueue_indirect_dma source(%dma_start3A_262 : memref<100000x16xf32, #tpu.memory_space<hbm>>) target(%dma_start3A_257 : memref<128x16xf32, #tpu.memory_space<vmem>>) offsets(%dma_start3A_259 : memref<128xi32, #tpu.memory_space<vmem>>) semaphore(%arg21 : memref<!tpu.dma_semaphore, #tpu.memory_space<semaphore_mem>>)
    %dma_start3A_263 = arith.constant 128 : i32
    %dma_start3A_264 = arith.constant 0 : i32
    %dma_start3A_265 = tpu.memref_slice %arg19[%dma_start3A_263, %dma_start3A_264] : memref<512x16xf32, #tpu.memory_space<vmem>> -> memref<128x16xf32, #tpu.memory_space<vmem>>
    %dma_start3A_266 = arith.constant 128 : i32
    %dma_start3A_267 = tpu.memref_slice %arg18[%dma_start3A_266] : memref<512xi32, #tpu.memory_space<vmem>> -> memref<128xi32, #tpu.memory_space<vmem>>
    %dma_start3A_268 = arith.constant 0 : i32
    %dma_start3A_269 = arith.constant 0 : i32
    %dma_start3A_270 = tpu.memref_slice %arg10[%dma_start3A_268, %dma_start3A_269] : memref<100000x16xf32, #tpu.memory_space<hbm>> -> memref<100000x16xf32, #tpu.memory_space<hbm>>
    tpu.enqueue_indirect_dma source(%dma_start3A_270 : memref<100000x16xf32, #tpu.memory_space<hbm>>) target(%dma_start3A_265 : memref<128x16xf32, #tpu.memory_space<vmem>>) offsets(%dma_start3A_267 : memref<128xi32, #tpu.memory_space<vmem>>) semaphore(%arg21 : memref<!tpu.dma_semaphore, #tpu.memory_space<semaphore_mem>>)
    %dma_start3A_271 = arith.constant 256 : i32
    %dma_start3A_272 = arith.constant 0 : i32
    %dma_start3A_273 = tpu.memref_slice %arg19[%dma_start3A_271, %dma_start3A_272] : memref<512x16xf32, #tpu.memory_space<vmem>> -> memref<128x16xf32, #tpu.memory_space<vmem>>
    %dma_start3A_274 = arith.constant 256 : i32
    %dma_start3A_275 = tpu.memref_slice %arg18[%dma_start3A_274] : memref<512xi32, #tpu.memory_space<vmem>> -> memref<128xi32, #tpu.memory_space<vmem>>
    %dma_start3A_276 = arith.constant 0 : i32
    %dma_start3A_277 = arith.constant 0 : i32
    %dma_start3A_278 = tpu.memref_slice %arg10[%dma_start3A_276, %dma_start3A_277] : memref<100000x16xf32, #tpu.memory_space<hbm>> -> memref<100000x16xf32, #tpu.memory_space<hbm>>
    tpu.enqueue_indirect_dma source(%dma_start3A_278 : memref<100000x16xf32, #tpu.memory_space<hbm>>) target(%dma_start3A_273 : memref<128x16xf32, #tpu.memory_space<vmem>>) offsets(%dma_start3A_275 : memref<128xi32, #tpu.memory_space<vmem>>) semaphore(%arg21 : memref<!tpu.dma_semaphore, #tpu.memory_space<semaphore_mem>>)
    %dma_start3A_279 = arith.constant 384 : i32
    %dma_start3A_280 = arith.constant 0 : i32
    %dma_start3A_281 = tpu.memref_slice %arg19[%dma_start3A_279, %dma_start3A_280] : memref<512x16xf32, #tpu.memory_space<vmem>> -> memref<128x16xf32, #tpu.memory_space<vmem>>
    %dma_start3A_282 = arith.constant 384 : i32
    %dma_start3A_283 = tpu.memref_slice %arg18[%dma_start3A_282] : memref<512xi32, #tpu.memory_space<vmem>> -> memref<128xi32, #tpu.memory_space<vmem>>
    %dma_start3A_284 = arith.constant 0 : i32
    %dma_start3A_285 = arith.constant 0 : i32
    %dma_start3A_286 = tpu.memref_slice %arg10[%dma_start3A_284, %dma_start3A_285] : memref<100000x16xf32, #tpu.memory_space<hbm>> -> memref<100000x16xf32, #tpu.memory_space<hbm>>
    tpu.enqueue_indirect_dma source(%dma_start3A_286 : memref<100000x16xf32, #tpu.memory_space<hbm>>) target(%dma_start3A_281 : memref<128x16xf32, #tpu.memory_space<vmem>>) offsets(%dma_start3A_283 : memref<128xi32, #tpu.memory_space<vmem>>) semaphore(%arg21 : memref<!tpu.dma_semaphore, #tpu.memory_space<semaphore_mem>>)
    %dma_wait3A_287 = arith.constant 0 : i32
    %dma_wait3A_288 = arith.constant 0 : i32
    %dma_wait3A_289 = tpu.memref_slice %arg8[%dma_wait3A_287, %dma_wait3A_288] : memref<1000000x16xf32, #tpu.memory_space<hbm>> -> memref<512x16xf32, #tpu.memory_space<hbm>>
    %dma_wait3A_290 = arith.constant 0 : i32
    %dma_wait3A_291 = arith.constant 0 : i32
    %dma_wait3A_292 = tpu.memref_slice %arg8[%dma_wait3A_290, %dma_wait3A_291] : memref<1000000x16xf32, #tpu.memory_space<hbm>> -> memref<512x16xf32, #tpu.memory_space<hbm>>
    tpu.wait_dma2 semaphore(%arg21 : memref<!tpu.dma_semaphore, #tpu.memory_space<semaphore_mem>>) src(%dma_wait3A_292 : memref<512x16xf32, #tpu.memory_space<hbm>>) dst(%arg19 : memref<512x16xf32, #tpu.memory_space<vmem>>)
    %add3A_293 = arith.constant 114688 : i32
    %add3A_294 = arith.addi %add3A_293, %mul3A_2 : i32
    "tpu.region"() ({
      %run_scoped3A = tpu.sem_alloc : memref<!tpu.dma_semaphore, #tpu.memory_space<semaphore_mem>>
      %dma_start3A_394 = arith.constant 0 : i32
      %dma_start3A_395 = tpu.memref_slice %arg13[%add3A_294, %dma_start3A_394] : memref<163840x16xf32, #tpu.memory_space<hbm>> -> memref<512x16xf32, #tpu.memory_space<hbm>>
      %dma_start3A_396 = arith.constant 0 : i32
      %dma_start3A_397 = tpu.memref_slice %arg13[%add3A_294, %dma_start3A_396] : memref<163840x16xf32, #tpu.memory_space<hbm>> -> memref<512x16xf32, #tpu.memory_space<hbm>>
      tpu.enqueue_dma source(%arg19 : memref<512x16xf32, #tpu.memory_space<vmem>>) target(%dma_start3A_397 : memref<512x16xf32, #tpu.memory_space<hbm>>) target_semaphore(%run_scoped3A : memref<!tpu.dma_semaphore, #tpu.memory_space<semaphore_mem>>)
      %dma_wait3A_398 = arith.constant 0 : i32
      %dma_wait3A_399 = tpu.memref_slice %arg13[%add3A_294, %dma_wait3A_398] : memref<163840x16xf32, #tpu.memory_space<hbm>> -> memref<512x16xf32, #tpu.memory_space<hbm>>
      %dma_wait3A_400 = arith.constant 0 : i32
      %dma_wait3A_401 = tpu.memref_slice %arg13[%add3A_294, %dma_wait3A_400] : memref<163840x16xf32, #tpu.memory_space<hbm>> -> memref<512x16xf32, #tpu.memory_space<hbm>>
      tpu.wait_dma2 semaphore(%run_scoped3A : memref<!tpu.dma_semaphore, #tpu.memory_space<semaphore_mem>>) src(%arg19 : memref<512x16xf32, #tpu.memory_space<vmem>>) dst(%dma_wait3A_401 : memref<512x16xf32, #tpu.memory_space<hbm>>)
      tpu.yield
    }) : () -> ()
    %add3A_295 = arith.constant 114688 : i32
    %add3A_296 = arith.addi %add3A_295, %mul3A_2 : i32
    "tpu.region"() ({
      %run_scoped3A = tpu.sem_alloc : memref<!tpu.dma_semaphore, #tpu.memory_space<semaphore_mem>>
      %dma_start3A_394 = tpu.memref_slice %arg3[%add3A_296] : memref<147456xi32, #tpu.memory_space<hbm>> -> memref<512xi32, #tpu.memory_space<hbm>>
      %dma_start3A_395 = tpu.memref_slice %arg3[%add3A_296] : memref<147456xi32, #tpu.memory_space<hbm>> -> memref<512xi32, #tpu.memory_space<hbm>>
      tpu.enqueue_dma source(%dma_start3A_395 : memref<512xi32, #tpu.memory_space<hbm>>) target(%arg18 : memref<512xi32, #tpu.memory_space<vmem>>) target_semaphore(%run_scoped3A : memref<!tpu.dma_semaphore, #tpu.memory_space<semaphore_mem>>)
      %dma_wait3A_396 = tpu.memref_slice %arg3[%add3A_296] : memref<147456xi32, #tpu.memory_space<hbm>> -> memref<512xi32, #tpu.memory_space<hbm>>
      %dma_wait3A_397 = tpu.memref_slice %arg3[%add3A_296] : memref<147456xi32, #tpu.memory_space<hbm>> -> memref<512xi32, #tpu.memory_space<hbm>>
      tpu.wait_dma2 semaphore(%run_scoped3A : memref<!tpu.dma_semaphore, #tpu.memory_space<semaphore_mem>>) src(%dma_wait3A_397 : memref<512xi32, #tpu.memory_space<hbm>>) dst(%arg18 : memref<512xi32, #tpu.memory_space<vmem>>)
      tpu.yield
    }) : () -> ()
    %dma_start3A_297 = arith.constant 0 : i32
    %dma_start3A_298 = arith.constant 0 : i32
    %dma_start3A_299 = tpu.memref_slice %arg19[%dma_start3A_297, %dma_start3A_298] : memref<512x16xf32, #tpu.memory_space<vmem>> -> memref<128x16xf32, #tpu.memory_space<vmem>>
    %dma_start3A_300 = arith.constant 0 : i32
    %dma_start3A_301 = tpu.memref_slice %arg18[%dma_start3A_300] : memref<512xi32, #tpu.memory_space<vmem>> -> memref<128xi32, #tpu.memory_space<vmem>>
    %dma_start3A_302 = arith.constant 0 : i32
    %dma_start3A_303 = arith.constant 0 : i32
    %dma_start3A_304 = tpu.memref_slice %arg11[%dma_start3A_302, %dma_start3A_303] : memref<24x16xf32, #tpu.memory_space<hbm>> -> memref<24x16xf32, #tpu.memory_space<hbm>>
    tpu.enqueue_indirect_dma source(%dma_start3A_304 : memref<24x16xf32, #tpu.memory_space<hbm>>) target(%dma_start3A_299 : memref<128x16xf32, #tpu.memory_space<vmem>>) offsets(%dma_start3A_301 : memref<128xi32, #tpu.memory_space<vmem>>) semaphore(%arg21 : memref<!tpu.dma_semaphore, #tpu.memory_space<semaphore_mem>>)
    %dma_start3A_305 = arith.constant 128 : i32
    %dma_start3A_306 = arith.constant 0 : i32
    %dma_start3A_307 = tpu.memref_slice %arg19[%dma_start3A_305, %dma_start3A_306] : memref<512x16xf32, #tpu.memory_space<vmem>> -> memref<128x16xf32, #tpu.memory_space<vmem>>
    %dma_start3A_308 = arith.constant 128 : i32
    %dma_start3A_309 = tpu.memref_slice %arg18[%dma_start3A_308] : memref<512xi32, #tpu.memory_space<vmem>> -> memref<128xi32, #tpu.memory_space<vmem>>
    %dma_start3A_310 = arith.constant 0 : i32
    %dma_start3A_311 = arith.constant 0 : i32
    %dma_start3A_312 = tpu.memref_slice %arg11[%dma_start3A_310, %dma_start3A_311] : memref<24x16xf32, #tpu.memory_space<hbm>> -> memref<24x16xf32, #tpu.memory_space<hbm>>
    tpu.enqueue_indirect_dma source(%dma_start3A_312 : memref<24x16xf32, #tpu.memory_space<hbm>>) target(%dma_start3A_307 : memref<128x16xf32, #tpu.memory_space<vmem>>) offsets(%dma_start3A_309 : memref<128xi32, #tpu.memory_space<vmem>>) semaphore(%arg21 : memref<!tpu.dma_semaphore, #tpu.memory_space<semaphore_mem>>)
    %dma_start3A_313 = arith.constant 256 : i32
    %dma_start3A_314 = arith.constant 0 : i32
    %dma_start3A_315 = tpu.memref_slice %arg19[%dma_start3A_313, %dma_start3A_314] : memref<512x16xf32, #tpu.memory_space<vmem>> -> memref<128x16xf32, #tpu.memory_space<vmem>>
    %dma_start3A_316 = arith.constant 256 : i32
    %dma_start3A_317 = tpu.memref_slice %arg18[%dma_start3A_316] : memref<512xi32, #tpu.memory_space<vmem>> -> memref<128xi32, #tpu.memory_space<vmem>>
    %dma_start3A_318 = arith.constant 0 : i32
    %dma_start3A_319 = arith.constant 0 : i32
    %dma_start3A_320 = tpu.memref_slice %arg11[%dma_start3A_318, %dma_start3A_319] : memref<24x16xf32, #tpu.memory_space<hbm>> -> memref<24x16xf32, #tpu.memory_space<hbm>>
    tpu.enqueue_indirect_dma source(%dma_start3A_320 : memref<24x16xf32, #tpu.memory_space<hbm>>) target(%dma_start3A_315 : memref<128x16xf32, #tpu.memory_space<vmem>>) offsets(%dma_start3A_317 : memref<128xi32, #tpu.memory_space<vmem>>) semaphore(%arg21 : memref<!tpu.dma_semaphore, #tpu.memory_space<semaphore_mem>>)
    %dma_start3A_321 = arith.constant 384 : i32
    %dma_start3A_322 = arith.constant 0 : i32
    %dma_start3A_323 = tpu.memref_slice %arg19[%dma_start3A_321, %dma_start3A_322] : memref<512x16xf32, #tpu.memory_space<vmem>> -> memref<128x16xf32, #tpu.memory_space<vmem>>
    %dma_start3A_324 = arith.constant 384 : i32
    %dma_start3A_325 = tpu.memref_slice %arg18[%dma_start3A_324] : memref<512xi32, #tpu.memory_space<vmem>> -> memref<128xi32, #tpu.memory_space<vmem>>
    %dma_start3A_326 = arith.constant 0 : i32
    %dma_start3A_327 = arith.constant 0 : i32
    %dma_start3A_328 = tpu.memref_slice %arg11[%dma_start3A_326, %dma_start3A_327] : memref<24x16xf32, #tpu.memory_space<hbm>> -> memref<24x16xf32, #tpu.memory_space<hbm>>
    tpu.enqueue_indirect_dma source(%dma_start3A_328 : memref<24x16xf32, #tpu.memory_space<hbm>>) target(%dma_start3A_323 : memref<128x16xf32, #tpu.memory_space<vmem>>) offsets(%dma_start3A_325 : memref<128xi32, #tpu.memory_space<vmem>>) semaphore(%arg21 : memref<!tpu.dma_semaphore, #tpu.memory_space<semaphore_mem>>)
    %dma_wait3A_329 = arith.constant 0 : i32
    %dma_wait3A_330 = arith.constant 0 : i32
    %dma_wait3A_331 = tpu.memref_slice %arg8[%dma_wait3A_329, %dma_wait3A_330] : memref<1000000x16xf32, #tpu.memory_space<hbm>> -> memref<512x16xf32, #tpu.memory_space<hbm>>
    %dma_wait3A_332 = arith.constant 0 : i32
    %dma_wait3A_333 = arith.constant 0 : i32
    %dma_wait3A_334 = tpu.memref_slice %arg8[%dma_wait3A_332, %dma_wait3A_333] : memref<1000000x16xf32, #tpu.memory_space<hbm>> -> memref<512x16xf32, #tpu.memory_space<hbm>>
    tpu.wait_dma2 semaphore(%arg21 : memref<!tpu.dma_semaphore, #tpu.memory_space<semaphore_mem>>) src(%dma_wait3A_334 : memref<512x16xf32, #tpu.memory_space<hbm>>) dst(%arg19 : memref<512x16xf32, #tpu.memory_space<vmem>>)
    %add3A_335 = arith.constant 131072 : i32
    %add3A_336 = arith.addi %add3A_335, %mul3A_2 : i32
    "tpu.region"() ({
      %run_scoped3A = tpu.sem_alloc : memref<!tpu.dma_semaphore, #tpu.memory_space<semaphore_mem>>
      %dma_start3A_394 = arith.constant 0 : i32
      %dma_start3A_395 = tpu.memref_slice %arg13[%add3A_336, %dma_start3A_394] : memref<163840x16xf32, #tpu.memory_space<hbm>> -> memref<512x16xf32, #tpu.memory_space<hbm>>
      %dma_start3A_396 = arith.constant 0 : i32
      %dma_start3A_397 = tpu.memref_slice %arg13[%add3A_336, %dma_start3A_396] : memref<163840x16xf32, #tpu.memory_space<hbm>> -> memref<512x16xf32, #tpu.memory_space<hbm>>
      tpu.enqueue_dma source(%arg19 : memref<512x16xf32, #tpu.memory_space<vmem>>) target(%dma_start3A_397 : memref<512x16xf32, #tpu.memory_space<hbm>>) target_semaphore(%run_scoped3A : memref<!tpu.dma_semaphore, #tpu.memory_space<semaphore_mem>>)
      %dma_wait3A_398 = arith.constant 0 : i32
      %dma_wait3A_399 = tpu.memref_slice %arg13[%add3A_336, %dma_wait3A_398] : memref<163840x16xf32, #tpu.memory_space<hbm>> -> memref<512x16xf32, #tpu.memory_space<hbm>>
      %dma_wait3A_400 = arith.constant 0 : i32
      %dma_wait3A_401 = tpu.memref_slice %arg13[%add3A_336, %dma_wait3A_400] : memref<163840x16xf32, #tpu.memory_space<hbm>> -> memref<512x16xf32, #tpu.memory_space<hbm>>
      tpu.wait_dma2 semaphore(%run_scoped3A : memref<!tpu.dma_semaphore, #tpu.memory_space<semaphore_mem>>) src(%arg19 : memref<512x16xf32, #tpu.memory_space<vmem>>) dst(%dma_wait3A_401 : memref<512x16xf32, #tpu.memory_space<hbm>>)
      tpu.yield
    }) : () -> ()
    %add3A_337 = arith.constant 131072 : i32
    %add3A_338 = arith.addi %add3A_337, %mul3A_2 : i32
    "tpu.region"() ({
      %run_scoped3A = tpu.sem_alloc : memref<!tpu.dma_semaphore, #tpu.memory_space<semaphore_mem>>
      %dma_start3A_394 = tpu.memref_slice %arg3[%add3A_338] : memref<147456xi32, #tpu.memory_space<hbm>> -> memref<512xi32, #tpu.memory_space<hbm>>
      %dma_start3A_395 = tpu.memref_slice %arg3[%add3A_338] : memref<147456xi32, #tpu.memory_space<hbm>> -> memref<512xi32, #tpu.memory_space<hbm>>
      tpu.enqueue_dma source(%dma_start3A_395 : memref<512xi32, #tpu.memory_space<hbm>>) target(%arg18 : memref<512xi32, #tpu.memory_space<vmem>>) target_semaphore(%run_scoped3A : memref<!tpu.dma_semaphore, #tpu.memory_space<semaphore_mem>>)
      %dma_wait3A_396 = tpu.memref_slice %arg3[%add3A_338] : memref<147456xi32, #tpu.memory_space<hbm>> -> memref<512xi32, #tpu.memory_space<hbm>>
      %dma_wait3A_397 = tpu.memref_slice %arg3[%add3A_338] : memref<147456xi32, #tpu.memory_space<hbm>> -> memref<512xi32, #tpu.memory_space<hbm>>
      tpu.wait_dma2 semaphore(%run_scoped3A : memref<!tpu.dma_semaphore, #tpu.memory_space<semaphore_mem>>) src(%dma_wait3A_397 : memref<512xi32, #tpu.memory_space<hbm>>) dst(%arg18 : memref<512xi32, #tpu.memory_space<vmem>>)
      tpu.yield
    }) : () -> ()
    %dma_start3A_339 = arith.constant 0 : i32
    %dma_start3A_340 = arith.constant 0 : i32
    %dma_start3A_341 = tpu.memref_slice %arg19[%dma_start3A_339, %dma_start3A_340] : memref<512x16xf32, #tpu.memory_space<vmem>> -> memref<128x16xf32, #tpu.memory_space<vmem>>
    %dma_start3A_342 = arith.constant 0 : i32
    %dma_start3A_343 = tpu.memref_slice %arg18[%dma_start3A_342] : memref<512xi32, #tpu.memory_space<vmem>> -> memref<128xi32, #tpu.memory_space<vmem>>
    %dma_start3A_344 = arith.constant 0 : i32
    %dma_start3A_345 = arith.constant 0 : i32
    %dma_start3A_346 = tpu.memref_slice %arg12[%dma_start3A_344, %dma_start3A_345] : memref<8x16xf32, #tpu.memory_space<hbm>> -> memref<8x16xf32, #tpu.memory_space<hbm>>
    tpu.enqueue_indirect_dma source(%dma_start3A_346 : memref<8x16xf32, #tpu.memory_space<hbm>>) target(%dma_start3A_341 : memref<128x16xf32, #tpu.memory_space<vmem>>) offsets(%dma_start3A_343 : memref<128xi32, #tpu.memory_space<vmem>>) semaphore(%arg21 : memref<!tpu.dma_semaphore, #tpu.memory_space<semaphore_mem>>)
    %dma_start3A_347 = arith.constant 128 : i32
    %dma_start3A_348 = arith.constant 0 : i32
    %dma_start3A_349 = tpu.memref_slice %arg19[%dma_start3A_347, %dma_start3A_348] : memref<512x16xf32, #tpu.memory_space<vmem>> -> memref<128x16xf32, #tpu.memory_space<vmem>>
    %dma_start3A_350 = arith.constant 128 : i32
    %dma_start3A_351 = tpu.memref_slice %arg18[%dma_start3A_350] : memref<512xi32, #tpu.memory_space<vmem>> -> memref<128xi32, #tpu.memory_space<vmem>>
    %dma_start3A_352 = arith.constant 0 : i32
    %dma_start3A_353 = arith.constant 0 : i32
    %dma_start3A_354 = tpu.memref_slice %arg12[%dma_start3A_352, %dma_start3A_353] : memref<8x16xf32, #tpu.memory_space<hbm>> -> memref<8x16xf32, #tpu.memory_space<hbm>>
    tpu.enqueue_indirect_dma source(%dma_start3A_354 : memref<8x16xf32, #tpu.memory_space<hbm>>) target(%dma_start3A_349 : memref<128x16xf32, #tpu.memory_space<vmem>>) offsets(%dma_start3A_351 : memref<128xi32, #tpu.memory_space<vmem>>) semaphore(%arg21 : memref<!tpu.dma_semaphore, #tpu.memory_space<semaphore_mem>>)
    %dma_start3A_355 = arith.constant 256 : i32
    %dma_start3A_356 = arith.constant 0 : i32
    %dma_start3A_357 = tpu.memref_slice %arg19[%dma_start3A_355, %dma_start3A_356] : memref<512x16xf32, #tpu.memory_space<vmem>> -> memref<128x16xf32, #tpu.memory_space<vmem>>
    %dma_start3A_358 = arith.constant 256 : i32
    %dma_start3A_359 = tpu.memref_slice %arg18[%dma_start3A_358] : memref<512xi32, #tpu.memory_space<vmem>> -> memref<128xi32, #tpu.memory_space<vmem>>
    %dma_start3A_360 = arith.constant 0 : i32
    %dma_start3A_361 = arith.constant 0 : i32
    %dma_start3A_362 = tpu.memref_slice %arg12[%dma_start3A_360, %dma_start3A_361] : memref<8x16xf32, #tpu.memory_space<hbm>> -> memref<8x16xf32, #tpu.memory_space<hbm>>
    tpu.enqueue_indirect_dma source(%dma_start3A_362 : memref<8x16xf32, #tpu.memory_space<hbm>>) target(%dma_start3A_357 : memref<128x16xf32, #tpu.memory_space<vmem>>) offsets(%dma_start3A_359 : memref<128xi32, #tpu.memory_space<vmem>>) semaphore(%arg21 : memref<!tpu.dma_semaphore, #tpu.memory_space<semaphore_mem>>)
    %dma_start3A_363 = arith.constant 384 : i32
    %dma_start3A_364 = arith.constant 0 : i32
    %dma_start3A_365 = tpu.memref_slice %arg19[%dma_start3A_363, %dma_start3A_364] : memref<512x16xf32, #tpu.memory_space<vmem>> -> memref<128x16xf32, #tpu.memory_space<vmem>>
    %dma_start3A_366 = arith.constant 384 : i32
    %dma_start3A_367 = tpu.memref_slice %arg18[%dma_start3A_366] : memref<512xi32, #tpu.memory_space<vmem>> -> memref<128xi32, #tpu.memory_space<vmem>>
    %dma_start3A_368 = arith.constant 0 : i32
    %dma_start3A_369 = arith.constant 0 : i32
    %dma_start3A_370 = tpu.memref_slice %arg12[%dma_start3A_368, %dma_start3A_369] : memref<8x16xf32, #tpu.memory_space<hbm>> -> memref<8x16xf32, #tpu.memory_space<hbm>>
    tpu.enqueue_indirect_dma source(%dma_start3A_370 : memref<8x16xf32, #tpu.memory_space<hbm>>) target(%dma_start3A_365 : memref<128x16xf32, #tpu.memory_space<vmem>>) offsets(%dma_start3A_367 : memref<128xi32, #tpu.memory_space<vmem>>) semaphore(%arg21 : memref<!tpu.dma_semaphore, #tpu.memory_space<semaphore_mem>>)
    %dma_wait3A_371 = arith.constant 0 : i32
    %dma_wait3A_372 = arith.constant 0 : i32
    %dma_wait3A_373 = tpu.memref_slice %arg8[%dma_wait3A_371, %dma_wait3A_372] : memref<1000000x16xf32, #tpu.memory_space<hbm>> -> memref<512x16xf32, #tpu.memory_space<hbm>>
    %dma_wait3A_374 = arith.constant 0 : i32
    %dma_wait3A_375 = arith.constant 0 : i32
    %dma_wait3A_376 = tpu.memref_slice %arg8[%dma_wait3A_374, %dma_wait3A_375] : memref<1000000x16xf32, #tpu.memory_space<hbm>> -> memref<512x16xf32, #tpu.memory_space<hbm>>
    tpu.wait_dma2 semaphore(%arg21 : memref<!tpu.dma_semaphore, #tpu.memory_space<semaphore_mem>>) src(%dma_wait3A_376 : memref<512x16xf32, #tpu.memory_space<hbm>>) dst(%arg19 : memref<512x16xf32, #tpu.memory_space<vmem>>)
    %add3A_377 = arith.constant 147456 : i32
    %add3A_378 = arith.addi %add3A_377, %mul3A_2 : i32
    "tpu.region"() ({
      %run_scoped3A = tpu.sem_alloc : memref<!tpu.dma_semaphore, #tpu.memory_space<semaphore_mem>>
      %dma_start3A_394 = arith.constant 0 : i32
      %dma_start3A_395 = tpu.memref_slice %arg13[%add3A_378, %dma_start3A_394] : memref<163840x16xf32, #tpu.memory_space<hbm>> -> memref<512x16xf32, #tpu.memory_space<hbm>>
      %dma_start3A_396 = arith.constant 0 : i32
      %dma_start3A_397 = tpu.memref_slice %arg13[%add3A_378, %dma_start3A_396] : memref<163840x16xf32, #tpu.memory_space<hbm>> -> memref<512x16xf32, #tpu.memory_space<hbm>>
      tpu.enqueue_dma source(%arg19 : memref<512x16xf32, #tpu.memory_space<vmem>>) target(%dma_start3A_397 : memref<512x16xf32, #tpu.memory_space<hbm>>) target_semaphore(%run_scoped3A : memref<!tpu.dma_semaphore, #tpu.memory_space<semaphore_mem>>)
      %dma_wait3A_398 = arith.constant 0 : i32
      %dma_wait3A_399 = tpu.memref_slice %arg13[%add3A_378, %dma_wait3A_398] : memref<163840x16xf32, #tpu.memory_space<hbm>> -> memref<512x16xf32, #tpu.memory_space<hbm>>
      %dma_wait3A_400 = arith.constant 0 : i32
      %dma_wait3A_401 = tpu.memref_slice %arg13[%add3A_378, %dma_wait3A_400] : memref<163840x16xf32, #tpu.memory_space<hbm>> -> memref<512x16xf32, #tpu.memory_space<hbm>>
      tpu.wait_dma2 semaphore(%run_scoped3A : memref<!tpu.dma_semaphore, #tpu.memory_space<semaphore_mem>>) src(%arg19 : memref<512x16xf32, #tpu.memory_space<vmem>>) dst(%dma_wait3A_401 : memref<512x16xf32, #tpu.memory_space<hbm>>)
      tpu.yield
    }) : () -> ()
    %mul3A_379 = arith.constant 200 : i32
    %mul3A_380 = arith.muli %mul3A_2, %mul3A_379 : i32
    %add3A_381 = arith.constant 0 : i32
    %add3A_382 = arith.addi %mul3A_380, %add3A_381 : i32
    "tpu.region"() ({
      %run_scoped3A = tpu.sem_alloc : memref<!tpu.dma_semaphore, #tpu.memory_space<semaphore_mem>>
      %dma_start3A_394 = tpu.memref_slice %arg2[%add3A_382] : memref<3276800xi32, #tpu.memory_space<hbm>> -> memref<3200xi32, #tpu.memory_space<hbm>>
      %dma_start3A_395 = tpu.memref_slice %arg2[%add3A_382] : memref<3276800xi32, #tpu.memory_space<hbm>> -> memref<3200xi32, #tpu.memory_space<hbm>>
      tpu.enqueue_dma source(%dma_start3A_395 : memref<3200xi32, #tpu.memory_space<hbm>>) target(%arg14 : memref<3200xi32, #tpu.memory_space<vmem>>) target_semaphore(%run_scoped3A : memref<!tpu.dma_semaphore, #tpu.memory_space<semaphore_mem>>)
      %dma_wait3A_396 = tpu.memref_slice %arg2[%add3A_382] : memref<3276800xi32, #tpu.memory_space<hbm>> -> memref<3200xi32, #tpu.memory_space<hbm>>
      %dma_wait3A_397 = tpu.memref_slice %arg2[%add3A_382] : memref<3276800xi32, #tpu.memory_space<hbm>> -> memref<3200xi32, #tpu.memory_space<hbm>>
      tpu.wait_dma2 semaphore(%run_scoped3A : memref<!tpu.dma_semaphore, #tpu.memory_space<semaphore_mem>>) src(%dma_wait3A_397 : memref<3200xi32, #tpu.memory_space<hbm>>) dst(%arg14 : memref<3200xi32, #tpu.memory_space<vmem>>)
      tpu.yield
    }) : () -> ()
    %scan3A = arith.constant 0 : i32
    %scan3A_383 = arith.constant 0 : i32
    %scan3A_384 = arith.constant 25 : i32
    %scan3A_385 = arith.addi %scan3A_383, %scan3A_384 : i32
    %scan3A_386 = arith.constant 1 : i32
    scf.for %scan3A_394 = %scan3A_383 to %scan3A_385 step %scan3A_386  : i32 {
      %mul3A_395 = arith.constant 128 : i32
      %mul3A_396 = arith.muli %scan3A_394, %mul3A_395 : i32
      %mul3A_397 = arith.constant 128 : i32
      %mul3A_398 = arith.muli %scan3A_394, %mul3A_397 : i32
      %dma_start3A_399 = arith.constant 0 : i32
      %dma_start3A_400 = tpu.memref_slice %arg16[%mul3A_398, %dma_start3A_399] : memref<3200x16xf32, #tpu.memory_space<vmem>> -> memref<128x16xf32, #tpu.memory_space<vmem>>
      %dma_start3A_401 = tpu.memref_slice %arg14[%mul3A_396] : memref<3200xi32, #tpu.memory_space<vmem>> -> memref<128xi32, #tpu.memory_space<vmem>>
      %dma_start3A_402 = arith.constant 0 : i32
      %dma_start3A_403 = arith.constant 0 : i32
      %dma_start3A_404 = tpu.memref_slice %arg8[%dma_start3A_402, %dma_start3A_403] : memref<1000000x16xf32, #tpu.memory_space<hbm>> -> memref<1000000x16xf32, #tpu.memory_space<hbm>>
      tpu.enqueue_indirect_dma source(%dma_start3A_404 : memref<1000000x16xf32, #tpu.memory_space<hbm>>) target(%dma_start3A_400 : memref<128x16xf32, #tpu.memory_space<vmem>>) offsets(%dma_start3A_401 : memref<128xi32, #tpu.memory_space<vmem>>) semaphore(%arg21 : memref<!tpu.dma_semaphore, #tpu.memory_space<semaphore_mem>>)
    }
    %scan3A_387 = arith.constant 25 : i32
    %scan3A_388 = arith.constant 0 : i32
    %scan3A_389 = arith.constant 0 : i32
    %scan3A_390 = arith.constant 16 : i32
    %scan3A_391 = arith.addi %scan3A_389, %scan3A_390 : i32
    %scan3A_392 = arith.constant 1 : i32
    scf.for %scan3A_394 = %scan3A_389 to %scan3A_391 step %scan3A_392  : i32 {
      %mul3A_395 = arith.constant 2 : i32
      %mul3A_396 = arith.muli %mul3A_395, %scan3A_394 : i32
      %dma_wait3A_397 = arith.constant 0 : i32
      %dma_wait3A_398 = arith.constant 0 : i32
      %dma_wait3A_399 = tpu.memref_slice %arg8[%dma_wait3A_397, %dma_wait3A_398] : memref<1000000x16xf32, #tpu.memory_space<hbm>> -> memref<3200x16xf32, #tpu.memory_space<hbm>>
      %dma_wait3A_400 = arith.constant 0 : i32
      %dma_wait3A_401 = arith.constant 0 : i32
      %dma_wait3A_402 = tpu.memref_slice %arg8[%dma_wait3A_400, %dma_wait3A_401] : memref<1000000x16xf32, #tpu.memory_space<hbm>> -> memref<3200x16xf32, #tpu.memory_space<hbm>>
      tpu.wait_dma2 semaphore(%arg21 : memref<!tpu.dma_semaphore, #tpu.memory_space<semaphore_mem>>) src(%dma_wait3A_402 : memref<3200x16xf32, #tpu.memory_space<hbm>>) dst(%arg16 : memref<3200x16xf32, #tpu.memory_space<vmem>>)
      %add3A_403 = arith.constant 1 : i32
      %add3A_404 = arith.addi %mul3A_396, %add3A_403 : i32
      %mul3A_405 = arith.constant 200 : i32
      %mul3A_406 = arith.muli %mul3A_2, %mul3A_405 : i32
      %mul3A_407 = arith.constant 3200 : i32
      %mul3A_408 = arith.muli %add3A_404, %mul3A_407 : i32
      %add3A_409 = arith.addi %mul3A_406, %mul3A_408 : i32
      "tpu.region"() ({
        %run_scoped3A = tpu.sem_alloc : memref<!tpu.dma_semaphore, #tpu.memory_space<semaphore_mem>>
        %dma_start3A_450 = tpu.memref_slice %arg2[%add3A_409] : memref<3276800xi32, #tpu.memory_space<hbm>> -> memref<3200xi32, #tpu.memory_space<hbm>>
        %dma_start3A_451 = tpu.memref_slice %arg2[%add3A_409] : memref<3276800xi32, #tpu.memory_space<hbm>> -> memref<3200xi32, #tpu.memory_space<hbm>>
        tpu.enqueue_dma source(%dma_start3A_451 : memref<3200xi32, #tpu.memory_space<hbm>>) target(%arg15 : memref<3200xi32, #tpu.memory_space<vmem>>) target_semaphore(%run_scoped3A : memref<!tpu.dma_semaphore, #tpu.memory_space<semaphore_mem>>)
        %dma_wait3A_452 = tpu.memref_slice %arg2[%add3A_409] : memref<3276800xi32, #tpu.memory_space<hbm>> -> memref<3200xi32, #tpu.memory_space<hbm>>
        %dma_wait3A_453 = tpu.memref_slice %arg2[%add3A_409] : memref<3276800xi32, #tpu.memory_space<hbm>> -> memref<3200xi32, #tpu.memory_space<hbm>>
        tpu.wait_dma2 semaphore(%run_scoped3A : memref<!tpu.dma_semaphore, #tpu.memory_space<semaphore_mem>>) src(%dma_wait3A_453 : memref<3200xi32, #tpu.memory_space<hbm>>) dst(%arg15 : memref<3200xi32, #tpu.memory_space<vmem>>)
        tpu.yield
      }) : () -> ()
      %scan3A_410 = arith.constant 0 : i32
      %scan3A_411 = arith.constant 0 : i32
      %scan3A_412 = arith.constant 25 : i32
      %scan3A_413 = arith.addi %scan3A_411, %scan3A_412 : i32
      %scan3A_414 = arith.constant 1 : i32
      scf.for %scan3A_450 = %scan3A_411 to %scan3A_413 step %scan3A_414  : i32 {
        %mul3A_451 = arith.constant 128 : i32
        %mul3A_452 = arith.muli %scan3A_450, %mul3A_451 : i32
        %mul3A_453 = arith.constant 128 : i32
        %mul3A_454 = arith.muli %scan3A_450, %mul3A_453 : i32
        %dma_start3A_455 = arith.constant 0 : i32
        %dma_start3A_456 = tpu.memref_slice %arg17[%mul3A_454, %dma_start3A_455] : memref<3200x16xf32, #tpu.memory_space<vmem>> -> memref<128x16xf32, #tpu.memory_space<vmem>>
        %dma_start3A_457 = tpu.memref_slice %arg15[%mul3A_452] : memref<3200xi32, #tpu.memory_space<vmem>> -> memref<128xi32, #tpu.memory_space<vmem>>
        %dma_start3A_458 = arith.constant 0 : i32
        %dma_start3A_459 = arith.constant 0 : i32
        %dma_start3A_460 = tpu.memref_slice %arg8[%dma_start3A_458, %dma_start3A_459] : memref<1000000x16xf32, #tpu.memory_space<hbm>> -> memref<1000000x16xf32, #tpu.memory_space<hbm>>
        tpu.enqueue_indirect_dma source(%dma_start3A_460 : memref<1000000x16xf32, #tpu.memory_space<hbm>>) target(%dma_start3A_456 : memref<128x16xf32, #tpu.memory_space<vmem>>) offsets(%dma_start3A_457 : memref<128xi32, #tpu.memory_space<vmem>>) semaphore(%arg22 : memref<!tpu.dma_semaphore, #tpu.memory_space<semaphore_mem>>)
      }
      %scan3A_415 = arith.constant 25 : i32
      %scan3A_416 = arith.constant 0 : i32
      %scan3A_417 = arith.constant 0 : i32
      %scan3A_418 = arith.constant 16 : i32
      %scan3A_419 = arith.addi %scan3A_417, %scan3A_418 : i32
      %scan3A_420 = arith.constant 1 : i32
      scf.for %scan3A_450 = %scan3A_417 to %scan3A_419 step %scan3A_420  : i32 {
        %mul3A_451 = arith.constant 200 : i32
        %mul3A_452 = arith.muli %scan3A_450, %mul3A_451 : i32
        %broadcast_in_dim3A = arith.constant 0.000000e+00 : f32
        %broadcast_in_dim3A_453 = vector.broadcast %broadcast_in_dim3A : f32 to vector<16xf32>
        %scan3A_454 = arith.constant 0 : i32
        %scan3A_455 = arith.constant 25 : i32
        %scan3A_456 = arith.addi %scan3A_454, %scan3A_455 : i32
        %scan3A_457 = arith.constant 1 : i32
        %scan3A_458:4 = scf.for %scan3A_467 = %scan3A_454 to %scan3A_456 step %scan3A_457 iter_args(%scan3A_468 = %broadcast_in_dim3A_453, %scan3A_469 = %broadcast_in_dim3A_453, %scan3A_470 = %broadcast_in_dim3A_453, %scan3A_471 = %broadcast_in_dim3A_453) -> (vector<16xf32>, vector<16xf32>, vector<16xf32>, vector<16xf32>)  : i32 {
          %mul3A_472 = arith.constant 8 : i32
          %mul3A_473 = arith.muli %scan3A_467, %mul3A_472 : i32
          %add3A_474 = arith.addi %mul3A_452, %mul3A_473 : i32
          %add3A_475 = arith.constant 0 : i32
          %add3A_476 = arith.addi %add3A_474, %add3A_475 : i32
          %get3A = arith.index_cast %add3A_476 : i32 to index
          %get3A_477 = arith.constant 0 : index
          %get3A_478 = tpu.vector_load %arg16[%get3A, %get3A_477] {strides = array<i32>} : memref<3200x16xf32, #tpu.memory_space<vmem>>, vector<1x16xf32>,
          %get3A_479 = vector.shape_cast %get3A_478 : vector<1x16xf32> to vector<16xf32>
          %add3A_480 = arith.addf %scan3A_468, %get3A_479 : vector<16xf32>
          %add3A_481 = arith.constant 1 : i32
          %add3A_482 = arith.addi %add3A_474, %add3A_481 : i32
          %get3A_483 = arith.index_cast %add3A_482 : i32 to index
          %get3A_484 = arith.constant 0 : index
          %get3A_485 = tpu.vector_load %arg16[%get3A_483, %get3A_484] {strides = array<i32>} : memref<3200x16xf32, #tpu.memory_space<vmem>>, vector<1x16xf32>,
          %get3A_486 = vector.shape_cast %get3A_485 : vector<1x16xf32> to vector<16xf32>
          %add3A_487 = arith.addf %scan3A_469, %get3A_486 : vector<16xf32>
          %add3A_488 = arith.constant 2 : i32
          %add3A_489 = arith.addi %add3A_474, %add3A_488 : i32
          %get3A_490 = arith.index_cast %add3A_489 : i32 to index
          %get3A_491 = arith.constant 0 : index
          %get3A_492 = tpu.vector_load %arg16[%get3A_490, %get3A_491] {strides = array<i32>} : memref<3200x16xf32, #tpu.memory_space<vmem>>, vector<1x16xf32>,
          %get3A_493 = vector.shape_cast %get3A_492 : vector<1x16xf32> to vector<16xf32>
          %add3A_494 = arith.addf %scan3A_470, %get3A_493 : vector<16xf32>
          %add3A_495 = arith.constant 3 : i32
          %add3A_496 = arith.addi %add3A_474, %add3A_495 : i32
          %get3A_497 = arith.index_cast %add3A_496 : i32 to index
          %get3A_498 = arith.constant 0 : index
          %get3A_499 = tpu.vector_load %arg16[%get3A_497, %get3A_498] {strides = array<i32>} : memref<3200x16xf32, #tpu.memory_space<vmem>>, vector<1x16xf32>,
          %get3A_500 = vector.shape_cast %get3A_499 : vector<1x16xf32> to vector<16xf32>
          %add3A_501 = arith.addf %scan3A_471, %get3A_500 : vector<16xf32>
          %add3A_502 = arith.constant 4 : i32
          %add3A_503 = arith.addi %add3A_474, %add3A_502 : i32
          %get3A_504 = arith.index_cast %add3A_503 : i32 to index
          %get3A_505 = arith.constant 0 : index
          %get3A_506 = tpu.vector_load %arg16[%get3A_504, %get3A_505] {strides = array<i32>} : memref<3200x16xf32, #tpu.memory_space<vmem>>, vector<1x16xf32>,
          %get3A_507 = vector.shape_cast %get3A_506 : vector<1x16xf32> to vector<16xf32>
          %add3A_508 = arith.addf %add3A_480, %get3A_507 : vector<16xf32>
          %add3A_509 = arith.constant 5 : i32
          %add3A_510 = arith.addi %add3A_474, %add3A_509 : i32
          %get3A_511 = arith.index_cast %add3A_510 : i32 to index
          %get3A_512 = arith.constant 0 : index
          %get3A_513 = tpu.vector_load %arg16[%get3A_511, %get3A_512] {strides = array<i32>} : memref<3200x16xf32, #tpu.memory_space<vmem>>, vector<1x16xf32>,
          %get3A_514 = vector.shape_cast %get3A_513 : vector<1x16xf32> to vector<16xf32>
          %add3A_515 = arith.addf %add3A_487, %get3A_514 : vector<16xf32>
          %add3A_516 = arith.constant 6 : i32
          %add3A_517 = arith.addi %add3A_474, %add3A_516 : i32
          %get3A_518 = arith.index_cast %add3A_517 : i32 to index
          %get3A_519 = arith.constant 0 : index
          %get3A_520 = tpu.vector_load %arg16[%get3A_518, %get3A_519] {strides = array<i32>} : memref<3200x16xf32, #tpu.memory_space<vmem>>, vector<1x16xf32>,
          %get3A_521 = vector.shape_cast %get3A_520 : vector<1x16xf32> to vector<16xf32>
          %add3A_522 = arith.addf %add3A_494, %get3A_521 : vector<16xf32>
          %add3A_523 = arith.constant 7 : i32
          %add3A_524 = arith.addi %add3A_474, %add3A_523 : i32
          %get3A_525 = arith.index_cast %add3A_524 : i32 to index
          %get3A_526 = arith.constant 0 : index
          %get3A_527 = tpu.vector_load %arg16[%get3A_525, %get3A_526] {strides = array<i32>} : memref<3200x16xf32, #tpu.memory_space<vmem>>, vector<1x16xf32>,
          %get3A_528 = vector.shape_cast %get3A_527 : vector<1x16xf32> to vector<16xf32>
          %add3A_529 = arith.addf %add3A_501, %get3A_528 : vector<16xf32>
          scf.yield %add3A_508, %add3A_515, %add3A_522, %add3A_529 : vector<16xf32>, vector<16xf32>, vector<16xf32>, vector<16xf32>
        }
        %scan3A_459 = arith.constant 25 : i32
        %add3A_460 = arith.addf %scan3A_458#0, %scan3A_458#1 : vector<16xf32>
        %add3A_461 = arith.addf %scan3A_458#2, %scan3A_458#3 : vector<16xf32>
        %add3A_462 = arith.addf %add3A_460, %add3A_461 : vector<16xf32>
        %swap3A = arith.index_cast %scan3A_450 : i32 to index
        %swap3A_463 = arith.constant 0 : index
        %swap3A_464 = tpu.vector_load %arg20[%swap3A, %swap3A_463] {strides = array<i32>} : memref<16x16xf32, #tpu.memory_space<vmem>>, vector<1x16xf32>,
        %swap3A_465 = vector.shape_cast %swap3A_464 : vector<1x16xf32> to vector<16xf32>
        %swap3A_466 = vector.shape_cast %add3A_462 : vector<16xf32> to vector<1x16xf32>
        tpu.vector_store %arg20[%swap3A, %swap3A_463], %swap3A_466 {strides = array<i32>} : memref<16x16xf32, #tpu.memory_space<vmem>>, vector<1x16xf32>,
      }
      %scan3A_421 = arith.constant 16 : i32
      %add3A_422 = arith.constant 65536 : i32
      %add3A_423 = arith.addi %add3A_422, %mul3A_2 : i32
      %mul3A_424 = arith.constant 16 : i32
      %mul3A_425 = arith.muli %mul3A_396, %mul3A_424 : i32
      %add3A_426 = arith.addi %add3A_423, %mul3A_425 : i32
      "tpu.region"() ({
        %run_scoped3A = tpu.sem_alloc : memref<!tpu.dma_semaphore, #tpu.memory_space<semaphore_mem>>
        %dma_start3A_450 = arith.constant 0 : i32
        %dma_start3A_451 = tpu.memref_slice %arg13[%add3A_426, %dma_start3A_450] : memref<163840x16xf32, #tpu.memory_space<hbm>> -> memref<16x16xf32, #tpu.memory_space<hbm>>
        %dma_start3A_452 = arith.constant 0 : i32
        %dma_start3A_453 = tpu.memref_slice %arg13[%add3A_426, %dma_start3A_452] : memref<163840x16xf32, #tpu.memory_space<hbm>> -> memref<16x16xf32, #tpu.memory_space<hbm>>
        tpu.enqueue_dma source(%arg20 : memref<16x16xf32, #tpu.memory_space<vmem>>) target(%dma_start3A_453 : memref<16x16xf32, #tpu.memory_space<hbm>>) target_semaphore(%run_scoped3A : memref<!tpu.dma_semaphore, #tpu.memory_space<semaphore_mem>>)
        %dma_wait3A_454 = arith.constant 0 : i32
        %dma_wait3A_455 = tpu.memref_slice %arg13[%add3A_426, %dma_wait3A_454] : memref<163840x16xf32, #tpu.memory_space<hbm>> -> memref<16x16xf32, #tpu.memory_space<hbm>>
        %dma_wait3A_456 = arith.constant 0 : i32
        %dma_wait3A_457 = tpu.memref_slice %arg13[%add3A_426, %dma_wait3A_456] : memref<163840x16xf32, #tpu.memory_space<hbm>> -> memref<16x16xf32, #tpu.memory_space<hbm>>
        tpu.wait_dma2 semaphore(%run_scoped3A : memref<!tpu.dma_semaphore, #tpu.memory_space<semaphore_mem>>) src(%arg20 : memref<16x16xf32, #tpu.memory_space<vmem>>) dst(%dma_wait3A_457 : memref<16x16xf32, #tpu.memory_space<hbm>>)
        tpu.yield
      }) : () -> ()
      %dma_wait3A_427 = arith.constant 0 : i32
      %dma_wait3A_428 = arith.constant 0 : i32
      %dma_wait3A_429 = tpu.memref_slice %arg8[%dma_wait3A_427, %dma_wait3A_428] : memref<1000000x16xf32, #tpu.memory_space<hbm>> -> memref<3200x16xf32, #tpu.memory_space<hbm>>
      %dma_wait3A_430 = arith.constant 0 : i32
      %dma_wait3A_431 = arith.constant 0 : i32
      %dma_wait3A_432 = tpu.memref_slice %arg8[%dma_wait3A_430, %dma_wait3A_431] : memref<1000000x16xf32, #tpu.memory_space<hbm>> -> memref<3200x16xf32, #tpu.memory_space<hbm>>
      tpu.wait_dma2 semaphore(%arg22 : memref<!tpu.dma_semaphore, #tpu.memory_space<semaphore_mem>>) src(%dma_wait3A_432 : memref<3200x16xf32, #tpu.memory_space<hbm>>) dst(%arg17 : memref<3200x16xf32, #tpu.memory_space<vmem>>)
      %add3A_433 = arith.constant 2 : i32
      %add3A_434 = arith.addi %mul3A_396, %add3A_433 : i32
      %lt3A = arith.constant 32 : i32
      %lt3A_435 = arith.cmpi slt, %add3A_434, %lt3A : i32
      %convert_element_type3A = arith.extui %lt3A_435 : i1 to i32
      %cond3A = arith.constant 0 : i32
      %cond3A_436 = arith.cmpi ne, %convert_element_type3A, %cond3A : i32
      scf.if %cond3A_436 {
        %add3A_450 = arith.constant 2 : i32
        %add3A_451 = arith.addi %mul3A_396, %add3A_450 : i32
        %mul3A_452 = arith.constant 200 : i32
        %mul3A_453 = arith.muli %mul3A_2, %mul3A_452 : i32
        %mul3A_454 = arith.constant 3200 : i32
        %mul3A_455 = arith.muli %add3A_451, %mul3A_454 : i32
        %add3A_456 = arith.addi %mul3A_453, %mul3A_455 : i32
        "tpu.region"() ({
          %run_scoped3A = tpu.sem_alloc : memref<!tpu.dma_semaphore, #tpu.memory_space<semaphore_mem>>
          %dma_start3A_463 = tpu.memref_slice %arg2[%add3A_456] : memref<3276800xi32, #tpu.memory_space<hbm>> -> memref<3200xi32, #tpu.memory_space<hbm>>
          %dma_start3A_464 = tpu.memref_slice %arg2[%add3A_456] : memref<3276800xi32, #tpu.memory_space<hbm>> -> memref<3200xi32, #tpu.memory_space<hbm>>
          tpu.enqueue_dma source(%dma_start3A_464 : memref<3200xi32, #tpu.memory_space<hbm>>) target(%arg14 : memref<3200xi32, #tpu.memory_space<vmem>>) target_semaphore(%run_scoped3A : memref<!tpu.dma_semaphore, #tpu.memory_space<semaphore_mem>>)
          %dma_wait3A_465 = tpu.memref_slice %arg2[%add3A_456] : memref<3276800xi32, #tpu.memory_space<hbm>> -> memref<3200xi32, #tpu.memory_space<hbm>>
          %dma_wait3A_466 = tpu.memref_slice %arg2[%add3A_456] : memref<3276800xi32, #tpu.memory_space<hbm>> -> memref<3200xi32, #tpu.memory_space<hbm>>
          tpu.wait_dma2 semaphore(%run_scoped3A : memref<!tpu.dma_semaphore, #tpu.memory_space<semaphore_mem>>) src(%dma_wait3A_466 : memref<3200xi32, #tpu.memory_space<hbm>>) dst(%arg14 : memref<3200xi32, #tpu.memory_space<vmem>>)
          tpu.yield
        }) : () -> ()
        %scan3A_457 = arith.constant 0 : i32
        %scan3A_458 = arith.constant 0 : i32
        %scan3A_459 = arith.constant 25 : i32
        %scan3A_460 = arith.addi %scan3A_458, %scan3A_459 : i32
        %scan3A_461 = arith.constant 1 : i32
        scf.for %scan3A_463 = %scan3A_458 to %scan3A_460 step %scan3A_461  : i32 {
          %mul3A_464 = arith.constant 128 : i32
          %mul3A_465 = arith.muli %scan3A_463, %mul3A_464 : i32
          %mul3A_466 = arith.constant 128 : i32
          %mul3A_467 = arith.muli %scan3A_463, %mul3A_466 : i32
          %dma_start3A_468 = arith.constant 0 : i32
          %dma_start3A_469 = tpu.memref_slice %arg16[%mul3A_467, %dma_start3A_468] : memref<3200x16xf32, #tpu.memory_space<vmem>> -> memref<128x16xf32, #tpu.memory_space<vmem>>
          %dma_start3A_470 = tpu.memref_slice %arg14[%mul3A_465] : memref<3200xi32, #tpu.memory_space<vmem>> -> memref<128xi32, #tpu.memory_space<vmem>>
          %dma_start3A_471 = arith.constant 0 : i32
          %dma_start3A_472 = arith.constant 0 : i32
          %dma_start3A_473 = tpu.memref_slice %arg8[%dma_start3A_471, %dma_start3A_472] : memref<1000000x16xf32, #tpu.memory_space<hbm>> -> memref<1000000x16xf32, #tpu.memory_space<hbm>>
          tpu.enqueue_indirect_dma source(%dma_start3A_473 : memref<1000000x16xf32, #tpu.memory_space<hbm>>) target(%dma_start3A_469 : memref<128x16xf32, #tpu.memory_space<vmem>>) offsets(%dma_start3A_470 : memref<128xi32, #tpu.memory_space<vmem>>) semaphore(%arg21 : memref<!tpu.dma_semaphore, #tpu.memory_space<semaphore_mem>>)
        }
        %scan3A_462 = arith.constant 25 : i32
      } else {
      }
      %add3A_437 = arith.constant 1 : i32
      %add3A_438 = arith.addi %mul3A_396, %add3A_437 : i32
      %scan3A_439 = arith.constant 0 : i32
      %scan3A_440 = arith.constant 0 : i32
      %scan3A_441 = arith.constant 16 : i32
      %scan3A_442 = arith.addi %scan3A_440, %scan3A_441 : i32
      %scan3A_443 = arith.constant 1 : i32
      scf.for %scan3A_450 = %scan3A_440 to %scan3A_442 step %scan3A_443  : i32 {
        %mul3A_451 = arith.constant 200 : i32
        %mul3A_452 = arith.muli %scan3A_450, %mul3A_451 : i32
        %broadcast_in_dim3A = arith.constant 0.000000e+00 : f32
        %broadcast_in_dim3A_453 = vector.broadcast %broadcast_in_dim3A : f32 to vector<16xf32>
        %scan3A_454 = arith.constant 0 : i32
        %scan3A_455 = arith.constant 25 : i32
        %scan3A_456 = arith.addi %scan3A_454, %scan3A_455 : i32
        %scan3A_457 = arith.constant 1 : i32
        %scan3A_458:4 = scf.for %scan3A_467 = %scan3A_454 to %scan3A_456 step %scan3A_457 iter_args(%scan3A_468 = %broadcast_in_dim3A_453, %scan3A_469 = %broadcast_in_dim3A_453, %scan3A_470 = %broadcast_in_dim3A_453, %scan3A_471 = %broadcast_in_dim3A_453) -> (vector<16xf32>, vector<16xf32>, vector<16xf32>, vector<16xf32>)  : i32 {
          %mul3A_472 = arith.constant 8 : i32
          %mul3A_473 = arith.muli %scan3A_467, %mul3A_472 : i32
          %add3A_474 = arith.addi %mul3A_452, %mul3A_473 : i32
          %add3A_475 = arith.constant 0 : i32
          %add3A_476 = arith.addi %add3A_474, %add3A_475 : i32
          %get3A = arith.index_cast %add3A_476 : i32 to index
          %get3A_477 = arith.constant 0 : index
          %get3A_478 = tpu.vector_load %arg17[%get3A, %get3A_477] {strides = array<i32>} : memref<3200x16xf32, #tpu.memory_space<vmem>>, vector<1x16xf32>,
          %get3A_479 = vector.shape_cast %get3A_478 : vector<1x16xf32> to vector<16xf32>
          %add3A_480 = arith.addf %scan3A_468, %get3A_479 : vector<16xf32>
          %add3A_481 = arith.constant 1 : i32
          %add3A_482 = arith.addi %add3A_474, %add3A_481 : i32
          %get3A_483 = arith.index_cast %add3A_482 : i32 to index
          %get3A_484 = arith.constant 0 : index
          %get3A_485 = tpu.vector_load %arg17[%get3A_483, %get3A_484] {strides = array<i32>} : memref<3200x16xf32, #tpu.memory_space<vmem>>, vector<1x16xf32>,
          %get3A_486 = vector.shape_cast %get3A_485 : vector<1x16xf32> to vector<16xf32>
          %add3A_487 = arith.addf %scan3A_469, %get3A_486 : vector<16xf32>
          %add3A_488 = arith.constant 2 : i32
          %add3A_489 = arith.addi %add3A_474, %add3A_488 : i32
          %get3A_490 = arith.index_cast %add3A_489 : i32 to index
          %get3A_491 = arith.constant 0 : index
          %get3A_492 = tpu.vector_load %arg17[%get3A_490, %get3A_491] {strides = array<i32>} : memref<3200x16xf32, #tpu.memory_space<vmem>>, vector<1x16xf32>,
          %get3A_493 = vector.shape_cast %get3A_492 : vector<1x16xf32> to vector<16xf32>
          %add3A_494 = arith.addf %scan3A_470, %get3A_493 : vector<16xf32>
          %add3A_495 = arith.constant 3 : i32
          %add3A_496 = arith.addi %add3A_474, %add3A_495 : i32
          %get3A_497 = arith.index_cast %add3A_496 : i32 to index
          %get3A_498 = arith.constant 0 : index
          %get3A_499 = tpu.vector_load %arg17[%get3A_497, %get3A_498] {strides = array<i32>} : memref<3200x16xf32, #tpu.memory_space<vmem>>, vector<1x16xf32>,
          %get3A_500 = vector.shape_cast %get3A_499 : vector<1x16xf32> to vector<16xf32>
          %add3A_501 = arith.addf %scan3A_471, %get3A_500 : vector<16xf32>
          %add3A_502 = arith.constant 4 : i32
          %add3A_503 = arith.addi %add3A_474, %add3A_502 : i32
          %get3A_504 = arith.index_cast %add3A_503 : i32 to index
          %get3A_505 = arith.constant 0 : index
          %get3A_506 = tpu.vector_load %arg17[%get3A_504, %get3A_505] {strides = array<i32>} : memref<3200x16xf32, #tpu.memory_space<vmem>>, vector<1x16xf32>,
          %get3A_507 = vector.shape_cast %get3A_506 : vector<1x16xf32> to vector<16xf32>
          %add3A_508 = arith.addf %add3A_480, %get3A_507 : vector<16xf32>
          %add3A_509 = arith.constant 5 : i32
          %add3A_510 = arith.addi %add3A_474, %add3A_509 : i32
          %get3A_511 = arith.index_cast %add3A_510 : i32 to index
          %get3A_512 = arith.constant 0 : index
          %get3A_513 = tpu.vector_load %arg17[%get3A_511, %get3A_512] {strides = array<i32>} : memref<3200x16xf32, #tpu.memory_space<vmem>>, vector<1x16xf32>,
          %get3A_514 = vector.shape_cast %get3A_513 : vector<1x16xf32> to vector<16xf32>
          %add3A_515 = arith.addf %add3A_487, %get3A_514 : vector<16xf32>
          %add3A_516 = arith.constant 6 : i32
          %add3A_517 = arith.addi %add3A_474, %add3A_516 : i32
          %get3A_518 = arith.index_cast %add3A_517 : i32 to index
          %get3A_519 = arith.constant 0 : index
          %get3A_520 = tpu.vector_load %arg17[%get3A_518, %get3A_519] {strides = array<i32>} : memref<3200x16xf32, #tpu.memory_space<vmem>>, vector<1x16xf32>,
          %get3A_521 = vector.shape_cast %get3A_520 : vector<1x16xf32> to vector<16xf32>
          %add3A_522 = arith.addf %add3A_494, %get3A_521 : vector<16xf32>
          %add3A_523 = arith.constant 7 : i32
          %add3A_524 = arith.addi %add3A_474, %add3A_523 : i32
          %get3A_525 = arith.index_cast %add3A_524 : i32 to index
          %get3A_526 = arith.constant 0 : index
          %get3A_527 = tpu.vector_load %arg17[%get3A_525, %get3A_526] {strides = array<i32>} : memref<3200x16xf32, #tpu.memory_space<vmem>>, vector<1x16xf32>,
          %get3A_528 = vector.shape_cast %get3A_527 : vector<1x16xf32> to vector<16xf32>
          %add3A_529 = arith.addf %add3A_501, %get3A_528 : vector<16xf32>
          scf.yield %add3A_508, %add3A_515, %add3A_522, %add3A_529 : vector<16xf32>, vector<16xf32>, vector<16xf32>, vector<16xf32>
        }
        %scan3A_459 = arith.constant 25 : i32
        %add3A_460 = arith.addf %scan3A_458#0, %scan3A_458#1 : vector<16xf32>
        %add3A_461 = arith.addf %scan3A_458#2, %scan3A_458#3 : vector<16xf32>
        %add3A_462 = arith.addf %add3A_460, %add3A_461 : vector<16xf32>
        %swap3A = arith.index_cast %scan3A_450 : i32 to index
        %swap3A_463 = arith.constant 0 : index
        %swap3A_464 = tpu.vector_load %arg20[%swap3A, %swap3A_463] {strides = array<i32>} : memref<16x16xf32, #tpu.memory_space<vmem>>, vector<1x16xf32>,
        %swap3A_465 = vector.shape_cast %swap3A_464 : vector<1x16xf32> to vector<16xf32>
        %swap3A_466 = vector.shape_cast %add3A_462 : vector<16xf32> to vector<1x16xf32>
        tpu.vector_store %arg20[%swap3A, %swap3A_463], %swap3A_466 {strides = array<i32>} : memref<16x16xf32, #tpu.memory_space<vmem>>, vector<1x16xf32>,
      }
      %scan3A_444 = arith.constant 16 : i32
      %add3A_445 = arith.constant 65536 : i32
      %add3A_446 = arith.addi %add3A_445, %mul3A_2 : i32
      %mul3A_447 = arith.constant 16 : i32
      %mul3A_448 = arith.muli %add3A_438, %mul3A_447 : i32
      %add3A_449 = arith.addi %add3A_446, %mul3A_448 : i32
      "tpu.region"() ({
        %run_scoped3A = tpu.sem_alloc : memref<!tpu.dma_semaphore, #tpu.memory_space<semaphore_mem>>
        %dma_start3A_450 = arith.constant 0 : i32
        %dma_start3A_451 = tpu.memref_slice %arg13[%add3A_449, %dma_start3A_450] : memref<163840x16xf32, #tpu.memory_space<hbm>> -> memref<16x16xf32, #tpu.memory_space<hbm>>
        %dma_start3A_452 = arith.constant 0 : i32
        %dma_start3A_453 = tpu.memref_slice %arg13[%add3A_449, %dma_start3A_452] : memref<163840x16xf32, #tpu.memory_space<hbm>> -> memref<16x16xf32, #tpu.memory_space<hbm>>
        tpu.enqueue_dma source(%arg20 : memref<16x16xf32, #tpu.memory_space<vmem>>) target(%dma_start3A_453 : memref<16x16xf32, #tpu.memory_space<hbm>>) target_semaphore(%run_scoped3A : memref<!tpu.dma_semaphore, #tpu.memory_space<semaphore_mem>>)
        %dma_wait3A_454 = arith.constant 0 : i32
        %dma_wait3A_455 = tpu.memref_slice %arg13[%add3A_449, %dma_wait3A_454] : memref<163840x16xf32, #tpu.memory_space<hbm>> -> memref<16x16xf32, #tpu.memory_space<hbm>>
        %dma_wait3A_456 = arith.constant 0 : i32
        %dma_wait3A_457 = tpu.memref_slice %arg13[%add3A_449, %dma_wait3A_456] : memref<163840x16xf32, #tpu.memory_space<hbm>> -> memref<16x16xf32, #tpu.memory_space<hbm>>
        tpu.wait_dma2 semaphore(%run_scoped3A : memref<!tpu.dma_semaphore, #tpu.memory_space<semaphore_mem>>) src(%arg20 : memref<16x16xf32, #tpu.memory_space<vmem>>) dst(%dma_wait3A_457 : memref<16x16xf32, #tpu.memory_space<hbm>>)
        tpu.yield
      }) : () -> ()
    }
    %scan3A_393 = arith.constant 16 : i32
    return
  }
}

module attributes {stable_mosaic.version = 14 : i64} {
  func.func @_tc_body(%arg0: i32, %arg1: memref<10x2048x16xf32, #tpu.memory_space<vmem>>, %arg2: memref<2048x4xf32, #tpu.memory_space<vmem>>, %arg3: memref<2048x3xf32, #tpu.memory_space<vmem>>, %arg4: memref<4x16xf32, #tpu.memory_space<vmem>>, %arg5: memref<1x16xf32, #tpu.memory_space<vmem>>, %arg6: memref<3x16xf32, #tpu.memory_space<vmem>>, %arg7: memref<1x16xf32, #tpu.memory_space<vmem>>, %arg8: memref<10x16x128xf32, #tpu.memory_space<vmem>>, %arg9: memref<16x128xf32, #tpu.memory_space<vmem>>, %arg10: memref<16x128xf32, #tpu.memory_space<vmem>>, %arg11: memref<1x128xf32, #tpu.memory_space<vmem>>, %arg12: memref<1x128xf32, #tpu.memory_space<vmem>>, %arg13: memref<128x128xf32, #tpu.memory_space<vmem>>, %arg14: memref<1x128xf32, #tpu.memory_space<vmem>>, %arg15: memref<128x128xf32, #tpu.memory_space<vmem>>, %arg16: memref<1x128xf32, #tpu.memory_space<vmem>>, %arg17: memref<128x2xf32, #tpu.memory_space<vmem>>, %arg18: memref<1x2xf32, #tpu.memory_space<vmem>>, %arg19: memref<2048x2xf32, #tpu.memory_space<vmem>>) attributes {dimension_semantics = [#tpu.dimension_semantics<arbitrary>], iteration_bounds = array<i64: 8>, scalar_prefetch = 0 : i64, scratch_operands = 0 : i64, tpu.core_type = #tpu.core_type<tc>, window_params = [{transform_indices = @transform_0, window_bounds = array<i64: 10, 2048, 16>}, {transform_indices = @transform_1, window_bounds = array<i64: 2048, 4>}, {transform_indices = @transform_2, window_bounds = array<i64: 2048, 3>}, {pipeline_mode = #tpu.pipeline_mode<synchronous>, transform_indices = @transform_3, window_bounds = array<i64: 4, 16>}, {pipeline_mode = #tpu.pipeline_mode<synchronous>, transform_indices = @transform_4, window_bounds = array<i64: 1, 16>}, {pipeline_mode = #tpu.pipeline_mode<synchronous>, transform_indices = @transform_5, window_bounds = array<i64: 3, 16>}, {pipeline_mode = #tpu.pipeline_mode<synchronous>, transform_indices = @transform_6, window_bounds = array<i64: 1, 16>}, {pipeline_mode = #tpu.pipeline_mode<synchronous>, transform_indices = @transform_7, window_bounds = array<i64: 10, 16, 128>}, {pipeline_mode = #tpu.pipeline_mode<synchronous>, transform_indices = @transform_8, window_bounds = array<i64: 16, 128>}, {pipeline_mode = #tpu.pipeline_mode<synchronous>, transform_indices = @transform_9, window_bounds = array<i64: 16, 128>}, {pipeline_mode = #tpu.pipeline_mode<synchronous>, transform_indices = @transform_10, window_bounds = array<i64: 1, 128>}, {pipeline_mode = #tpu.pipeline_mode<synchronous>, transform_indices = @transform_11, window_bounds = array<i64: 1, 128>}, {pipeline_mode = #tpu.pipeline_mode<synchronous>, transform_indices = @transform_12, window_bounds = array<i64: 128, 128>}, {pipeline_mode = #tpu.pipeline_mode<synchronous>, transform_indices = @transform_13, window_bounds = array<i64: 1, 128>}, {pipeline_mode = #tpu.pipeline_mode<synchronous>, transform_indices = @transform_14, window_bounds = array<i64: 128, 128>}, {pipeline_mode = #tpu.pipeline_mode<synchronous>, transform_indices = @transform_15, window_bounds = array<i64: 1, 128>}, {pipeline_mode = #tpu.pipeline_mode<synchronous>, transform_indices = @transform_16, window_bounds = array<i64: 128, 2>}, {pipeline_mode = #tpu.pipeline_mode<synchronous>, transform_indices = @transform_17, window_bounds = array<i64: 1, 2>}, {transform_indices = @transform_18, window_bounds = array<i64: 2048, 2>}]} {
    %get3A = arith.constant 0 : index
    %get3A_0 = arith.constant 0 : index
    %get3A_1 = arith.constant 0 : index
    %get3A_2 = vector.load %arg1[%get3A, %get3A_0, %get3A_1] : memref<10x2048x16xf32, #tpu.memory_space<vmem>>, vector<10x2048x16xf32>
    %get3A_3 = arith.constant 0 : index
    %get3A_4 = arith.constant 0 : index
    %get3A_5 = arith.constant 0 : index
    %get3A_6 = vector.load %arg8[%get3A_3, %get3A_4, %get3A_5] : memref<10x16x128xf32, #tpu.memory_space<vmem>>, vector<10x16x128xf32>
    %get3A_7 = arith.constant 0 : index
    %get3A_8 = arith.constant 0 : index
    %get3A_9 = vector.load %arg2[%get3A_7, %get3A_8] : memref<2048x4xf32, #tpu.memory_space<vmem>>, vector<2048x4xf32>
    %get3A_10 = arith.constant 0 : index
    %get3A_11 = arith.constant 0 : index
    %get3A_12 = vector.load %arg4[%get3A_10, %get3A_11] : memref<4x16xf32, #tpu.memory_space<vmem>>, vector<4x16xf32>
    %dot_general3A = arith.constant dense<0.000000e+00> : vector<2048x16xf32>
    %dot_general3A_13 = tpu.matmul %get3A_9, %get3A_12, %dot_general3A {dimension_numbers = #tpu.dot_dimension_numbers<[1], [0], [0], [1], [0, 0, 1, 1], [], []>, transpose_lhs_hint = false} : vector<2048x4xf32>, vector<4x16xf32>, vector<2048x16xf32> -> vector<2048x16xf32>
    %get3A_14 = arith.constant 0 : index
    %get3A_15 = arith.constant 0 : index
    %get3A_16 = vector.load %arg5[%get3A_14, %get3A_15] : memref<1x16xf32, #tpu.memory_space<vmem>>, vector<1x16xf32>
    %add3A = vector.broadcast %get3A_16 : vector<1x16xf32> to vector<2048x16xf32>
    %add3A_17 = arith.addf %dot_general3A_13, %add3A : vector<2048x16xf32>
    %get3A_18 = arith.constant 0 : index
    %get3A_19 = arith.constant 0 : index
    %get3A_20 = vector.load %arg3[%get3A_18, %get3A_19] : memref<2048x3xf32, #tpu.memory_space<vmem>>, vector<2048x3xf32>
    %get3A_21 = arith.constant 0 : index
    %get3A_22 = arith.constant 0 : index
    %get3A_23 = vector.load %arg6[%get3A_21, %get3A_22] : memref<3x16xf32, #tpu.memory_space<vmem>>, vector<3x16xf32>
    %dot_general3A_24 = arith.constant dense<0.000000e+00> : vector<2048x16xf32>
    %dot_general3A_25 = tpu.matmul %get3A_20, %get3A_23, %dot_general3A_24 {dimension_numbers = #tpu.dot_dimension_numbers<[1], [0], [0], [1], [0, 0, 1, 1], [], []>, transpose_lhs_hint = false} : vector<2048x3xf32>, vector<3x16xf32>, vector<2048x16xf32> -> vector<2048x16xf32>
    %get3A_26 = arith.constant 0 : index
    %get3A_27 = arith.constant 0 : index
    %get3A_28 = vector.load %arg7[%get3A_26, %get3A_27] : memref<1x16xf32, #tpu.memory_space<vmem>>, vector<1x16xf32>
    %add3A_29 = vector.broadcast %get3A_28 : vector<1x16xf32> to vector<2048x16xf32>
    %add3A_30 = arith.addf %dot_general3A_25, %add3A_29 : vector<2048x16xf32>
    %slice3A = vector.extract_strided_slice %get3A_2 {offsets = [0, 0, 0], sizes = [1, 2048, 16], strides = [1, 1, 1]} : vector<10x2048x16xf32> to vector<1x2048x16xf32>
    %squeeze3A = vector.shape_cast %slice3A : vector<1x2048x16xf32> to vector<2048x16xf32>
    %slice3A_31 = vector.extract_strided_slice %get3A_2 {offsets = [5, 0, 0], sizes = [1, 2048, 16], strides = [1, 1, 1]} : vector<10x2048x16xf32> to vector<1x2048x16xf32>
    %squeeze3A_32 = vector.shape_cast %slice3A_31 : vector<1x2048x16xf32> to vector<2048x16xf32>
    %mul3A = arith.mulf %squeeze3A, %squeeze3A_32 : vector<2048x16xf32>
    %reduce_sum3A = arith.constant dense<0.000000e+00> : vector<2048xf32>
    %reduce_sum3A_33 = vector.multi_reduction <add>, %mul3A, %reduce_sum3A [1] : vector<2048x16xf32> to vector<2048xf32>
    %broadcast_in_dim3A = vector.shape_cast %reduce_sum3A_33 : vector<2048xf32> to vector<2048x1xf32>
    %get3A_34 = arith.constant 0 : index
    %get3A_35 = arith.constant 0 : index
    %get3A_36 = vector.load %arg9[%get3A_34, %get3A_35] : memref<16x128xf32, #tpu.memory_space<vmem>>, vector<16x128xf32>
    %dot_general3A_37 = arith.constant dense<0.000000e+00> : vector<2048x128xf32>
    %dot_general3A_38 = tpu.matmul %add3A_17, %get3A_36, %dot_general3A_37 {dimension_numbers = #tpu.dot_dimension_numbers<[1], [0], [0], [1], [0, 0, 1, 1], [], []>, transpose_lhs_hint = false} : vector<2048x16xf32>, vector<16x128xf32>, vector<2048x128xf32> -> vector<2048x128xf32>
    %get3A_39 = arith.constant 0 : index
    %get3A_40 = arith.constant 0 : index
    %get3A_41 = vector.load %arg10[%get3A_39, %get3A_40] : memref<16x128xf32, #tpu.memory_space<vmem>>, vector<16x128xf32>
    %dot_general3A_42 = arith.constant dense<0.000000e+00> : vector<2048x128xf32>
    %dot_general3A_43 = tpu.matmul %add3A_30, %get3A_41, %dot_general3A_42 {dimension_numbers = #tpu.dot_dimension_numbers<[1], [0], [0], [1], [0, 0, 1, 1], [], []>, transpose_lhs_hint = false} : vector<2048x16xf32>, vector<16x128xf32>, vector<2048x128xf32> -> vector<2048x128xf32>
    %add3A_44 = arith.addf %dot_general3A_38, %dot_general3A_43 : vector<2048x128xf32>
    %get3A_45 = arith.constant 0 : index
    %get3A_46 = arith.constant 0 : index
    %get3A_47 = vector.load %arg11[%get3A_45, %get3A_46] : memref<1x128xf32, #tpu.memory_space<vmem>>, vector<1x128xf32>
    %mul3A_48 = vector.broadcast %broadcast_in_dim3A : vector<2048x1xf32> to vector<2048x128xf32>
    %mul3A_49 = vector.broadcast %get3A_47 : vector<1x128xf32> to vector<2048x128xf32>
    %mul3A_50 = arith.mulf %mul3A_48, %mul3A_49 : vector<2048x128xf32>
    %add3A_51 = arith.addf %add3A_44, %mul3A_50 : vector<2048x128xf32>
    %get3A_52 = arith.constant 0 : index
    %get3A_53 = arith.constant 0 : index
    %get3A_54 = vector.load %arg12[%get3A_52, %get3A_53] : memref<1x128xf32, #tpu.memory_space<vmem>>, vector<1x128xf32>
    %add3A_55 = vector.broadcast %get3A_54 : vector<1x128xf32> to vector<2048x128xf32>
    %add3A_56 = arith.addf %add3A_51, %add3A_55 : vector<2048x128xf32>
    %slice3A_57 = vector.extract_strided_slice %get3A_2 {offsets = [0, 0, 0], sizes = [1, 2048, 16], strides = [1, 1, 1]} : vector<10x2048x16xf32> to vector<1x2048x16xf32>
    %squeeze3A_58 = vector.shape_cast %slice3A_57 : vector<1x2048x16xf32> to vector<2048x16xf32>
    %slice3A_59 = vector.extract_strided_slice %get3A_6 {offsets = [0, 0, 0], sizes = [1, 16, 128], strides = [1, 1, 1]} : vector<10x16x128xf32> to vector<1x16x128xf32>
    %squeeze3A_60 = vector.shape_cast %slice3A_59 : vector<1x16x128xf32> to vector<16x128xf32>
    %dot_general3A_61 = arith.constant dense<0.000000e+00> : vector<2048x128xf32>
    %dot_general3A_62 = tpu.matmul %squeeze3A_58, %squeeze3A_60, %dot_general3A_61 {dimension_numbers = #tpu.dot_dimension_numbers<[1], [0], [0], [1], [0, 0, 1, 1], [], []>, transpose_lhs_hint = false} : vector<2048x16xf32>, vector<16x128xf32>, vector<2048x128xf32> -> vector<2048x128xf32>
    %add3A_63 = arith.addf %add3A_56, %dot_general3A_62 : vector<2048x128xf32>
    %slice3A_64 = vector.extract_strided_slice %get3A_2 {offsets = [1, 0, 0], sizes = [1, 2048, 16], strides = [1, 1, 1]} : vector<10x2048x16xf32> to vector<1x2048x16xf32>
    %squeeze3A_65 = vector.shape_cast %slice3A_64 : vector<1x2048x16xf32> to vector<2048x16xf32>
    %slice3A_66 = vector.extract_strided_slice %get3A_6 {offsets = [1, 0, 0], sizes = [1, 16, 128], strides = [1, 1, 1]} : vector<10x16x128xf32> to vector<1x16x128xf32>
    %squeeze3A_67 = vector.shape_cast %slice3A_66 : vector<1x16x128xf32> to vector<16x128xf32>
    %dot_general3A_68 = arith.constant dense<0.000000e+00> : vector<2048x128xf32>
    %dot_general3A_69 = tpu.matmul %squeeze3A_65, %squeeze3A_67, %dot_general3A_68 {dimension_numbers = #tpu.dot_dimension_numbers<[1], [0], [0], [1], [0, 0, 1, 1], [], []>, transpose_lhs_hint = false} : vector<2048x16xf32>, vector<16x128xf32>, vector<2048x128xf32> -> vector<2048x128xf32>
    %add3A_70 = arith.addf %add3A_63, %dot_general3A_69 : vector<2048x128xf32>
    %slice3A_71 = vector.extract_strided_slice %get3A_2 {offsets = [2, 0, 0], sizes = [1, 2048, 16], strides = [1, 1, 1]} : vector<10x2048x16xf32> to vector<1x2048x16xf32>
    %squeeze3A_72 = vector.shape_cast %slice3A_71 : vector<1x2048x16xf32> to vector<2048x16xf32>
    %slice3A_73 = vector.extract_strided_slice %get3A_6 {offsets = [2, 0, 0], sizes = [1, 16, 128], strides = [1, 1, 1]} : vector<10x16x128xf32> to vector<1x16x128xf32>
    %squeeze3A_74 = vector.shape_cast %slice3A_73 : vector<1x16x128xf32> to vector<16x128xf32>
    %dot_general3A_75 = arith.constant dense<0.000000e+00> : vector<2048x128xf32>
    %dot_general3A_76 = tpu.matmul %squeeze3A_72, %squeeze3A_74, %dot_general3A_75 {dimension_numbers = #tpu.dot_dimension_numbers<[1], [0], [0], [1], [0, 0, 1, 1], [], []>, transpose_lhs_hint = false} : vector<2048x16xf32>, vector<16x128xf32>, vector<2048x128xf32> -> vector<2048x128xf32>
    %add3A_77 = arith.addf %add3A_70, %dot_general3A_76 : vector<2048x128xf32>
    %slice3A_78 = vector.extract_strided_slice %get3A_2 {offsets = [3, 0, 0], sizes = [1, 2048, 16], strides = [1, 1, 1]} : vector<10x2048x16xf32> to vector<1x2048x16xf32>
    %squeeze3A_79 = vector.shape_cast %slice3A_78 : vector<1x2048x16xf32> to vector<2048x16xf32>
    %slice3A_80 = vector.extract_strided_slice %get3A_6 {offsets = [3, 0, 0], sizes = [1, 16, 128], strides = [1, 1, 1]} : vector<10x16x128xf32> to vector<1x16x128xf32>
    %squeeze3A_81 = vector.shape_cast %slice3A_80 : vector<1x16x128xf32> to vector<16x128xf32>
    %dot_general3A_82 = arith.constant dense<0.000000e+00> : vector<2048x128xf32>
    %dot_general3A_83 = tpu.matmul %squeeze3A_79, %squeeze3A_81, %dot_general3A_82 {dimension_numbers = #tpu.dot_dimension_numbers<[1], [0], [0], [1], [0, 0, 1, 1], [], []>, transpose_lhs_hint = false} : vector<2048x16xf32>, vector<16x128xf32>, vector<2048x128xf32> -> vector<2048x128xf32>
    %add3A_84 = arith.addf %add3A_77, %dot_general3A_83 : vector<2048x128xf32>
    %slice3A_85 = vector.extract_strided_slice %get3A_2 {offsets = [4, 0, 0], sizes = [1, 2048, 16], strides = [1, 1, 1]} : vector<10x2048x16xf32> to vector<1x2048x16xf32>
    %squeeze3A_86 = vector.shape_cast %slice3A_85 : vector<1x2048x16xf32> to vector<2048x16xf32>
    %slice3A_87 = vector.extract_strided_slice %get3A_6 {offsets = [4, 0, 0], sizes = [1, 16, 128], strides = [1, 1, 1]} : vector<10x16x128xf32> to vector<1x16x128xf32>
    %squeeze3A_88 = vector.shape_cast %slice3A_87 : vector<1x16x128xf32> to vector<16x128xf32>
    %dot_general3A_89 = arith.constant dense<0.000000e+00> : vector<2048x128xf32>
    %dot_general3A_90 = tpu.matmul %squeeze3A_86, %squeeze3A_88, %dot_general3A_89 {dimension_numbers = #tpu.dot_dimension_numbers<[1], [0], [0], [1], [0, 0, 1, 1], [], []>, transpose_lhs_hint = false} : vector<2048x16xf32>, vector<16x128xf32>, vector<2048x128xf32> -> vector<2048x128xf32>
    %add3A_91 = arith.addf %add3A_84, %dot_general3A_90 : vector<2048x128xf32>
    %slice3A_92 = vector.extract_strided_slice %get3A_2 {offsets = [5, 0, 0], sizes = [1, 2048, 16], strides = [1, 1, 1]} : vector<10x2048x16xf32> to vector<1x2048x16xf32>
    %squeeze3A_93 = vector.shape_cast %slice3A_92 : vector<1x2048x16xf32> to vector<2048x16xf32>
    %slice3A_94 = vector.extract_strided_slice %get3A_6 {offsets = [5, 0, 0], sizes = [1, 16, 128], strides = [1, 1, 1]} : vector<10x16x128xf32> to vector<1x16x128xf32>
    %squeeze3A_95 = vector.shape_cast %slice3A_94 : vector<1x16x128xf32> to vector<16x128xf32>
    %dot_general3A_96 = arith.constant dense<0.000000e+00> : vector<2048x128xf32>
    %dot_general3A_97 = tpu.matmul %squeeze3A_93, %squeeze3A_95, %dot_general3A_96 {dimension_numbers = #tpu.dot_dimension_numbers<[1], [0], [0], [1], [0, 0, 1, 1], [], []>, transpose_lhs_hint = false} : vector<2048x16xf32>, vector<16x128xf32>, vector<2048x128xf32> -> vector<2048x128xf32>
    %add3A_98 = arith.addf %add3A_91, %dot_general3A_97 : vector<2048x128xf32>
    %slice3A_99 = vector.extract_strided_slice %get3A_2 {offsets = [6, 0, 0], sizes = [1, 2048, 16], strides = [1, 1, 1]} : vector<10x2048x16xf32> to vector<1x2048x16xf32>
    %squeeze3A_100 = vector.shape_cast %slice3A_99 : vector<1x2048x16xf32> to vector<2048x16xf32>
    %slice3A_101 = vector.extract_strided_slice %get3A_6 {offsets = [6, 0, 0], sizes = [1, 16, 128], strides = [1, 1, 1]} : vector<10x16x128xf32> to vector<1x16x128xf32>
    %squeeze3A_102 = vector.shape_cast %slice3A_101 : vector<1x16x128xf32> to vector<16x128xf32>
    %dot_general3A_103 = arith.constant dense<0.000000e+00> : vector<2048x128xf32>
    %dot_general3A_104 = tpu.matmul %squeeze3A_100, %squeeze3A_102, %dot_general3A_103 {dimension_numbers = #tpu.dot_dimension_numbers<[1], [0], [0], [1], [0, 0, 1, 1], [], []>, transpose_lhs_hint = false} : vector<2048x16xf32>, vector<16x128xf32>, vector<2048x128xf32> -> vector<2048x128xf32>
    %add3A_105 = arith.addf %add3A_98, %dot_general3A_104 : vector<2048x128xf32>
    %slice3A_106 = vector.extract_strided_slice %get3A_2 {offsets = [7, 0, 0], sizes = [1, 2048, 16], strides = [1, 1, 1]} : vector<10x2048x16xf32> to vector<1x2048x16xf32>
    %squeeze3A_107 = vector.shape_cast %slice3A_106 : vector<1x2048x16xf32> to vector<2048x16xf32>
    %slice3A_108 = vector.extract_strided_slice %get3A_6 {offsets = [7, 0, 0], sizes = [1, 16, 128], strides = [1, 1, 1]} : vector<10x16x128xf32> to vector<1x16x128xf32>
    %squeeze3A_109 = vector.shape_cast %slice3A_108 : vector<1x16x128xf32> to vector<16x128xf32>
    %dot_general3A_110 = arith.constant dense<0.000000e+00> : vector<2048x128xf32>
    %dot_general3A_111 = tpu.matmul %squeeze3A_107, %squeeze3A_109, %dot_general3A_110 {dimension_numbers = #tpu.dot_dimension_numbers<[1], [0], [0], [1], [0, 0, 1, 1], [], []>, transpose_lhs_hint = false} : vector<2048x16xf32>, vector<16x128xf32>, vector<2048x128xf32> -> vector<2048x128xf32>
    %add3A_112 = arith.addf %add3A_105, %dot_general3A_111 : vector<2048x128xf32>
    %slice3A_113 = vector.extract_strided_slice %get3A_2 {offsets = [8, 0, 0], sizes = [1, 2048, 16], strides = [1, 1, 1]} : vector<10x2048x16xf32> to vector<1x2048x16xf32>
    %squeeze3A_114 = vector.shape_cast %slice3A_113 : vector<1x2048x16xf32> to vector<2048x16xf32>
    %slice3A_115 = vector.extract_strided_slice %get3A_6 {offsets = [8, 0, 0], sizes = [1, 16, 128], strides = [1, 1, 1]} : vector<10x16x128xf32> to vector<1x16x128xf32>
    %squeeze3A_116 = vector.shape_cast %slice3A_115 : vector<1x16x128xf32> to vector<16x128xf32>
    %dot_general3A_117 = arith.constant dense<0.000000e+00> : vector<2048x128xf32>
    %dot_general3A_118 = tpu.matmul %squeeze3A_114, %squeeze3A_116, %dot_general3A_117 {dimension_numbers = #tpu.dot_dimension_numbers<[1], [0], [0], [1], [0, 0, 1, 1], [], []>, transpose_lhs_hint = false} : vector<2048x16xf32>, vector<16x128xf32>, vector<2048x128xf32> -> vector<2048x128xf32>
    %add3A_119 = arith.addf %add3A_112, %dot_general3A_118 : vector<2048x128xf32>
    %slice3A_120 = vector.extract_strided_slice %get3A_2 {offsets = [9, 0, 0], sizes = [1, 2048, 16], strides = [1, 1, 1]} : vector<10x2048x16xf32> to vector<1x2048x16xf32>
    %squeeze3A_121 = vector.shape_cast %slice3A_120 : vector<1x2048x16xf32> to vector<2048x16xf32>
    %slice3A_122 = vector.extract_strided_slice %get3A_6 {offsets = [9, 0, 0], sizes = [1, 16, 128], strides = [1, 1, 1]} : vector<10x16x128xf32> to vector<1x16x128xf32>
    %squeeze3A_123 = vector.shape_cast %slice3A_122 : vector<1x16x128xf32> to vector<16x128xf32>
    %dot_general3A_124 = arith.constant dense<0.000000e+00> : vector<2048x128xf32>
    %dot_general3A_125 = tpu.matmul %squeeze3A_121, %squeeze3A_123, %dot_general3A_124 {dimension_numbers = #tpu.dot_dimension_numbers<[1], [0], [0], [1], [0, 0, 1, 1], [], []>, transpose_lhs_hint = false} : vector<2048x16xf32>, vector<16x128xf32>, vector<2048x128xf32> -> vector<2048x128xf32>
    %add3A_126 = arith.addf %add3A_119, %dot_general3A_125 : vector<2048x128xf32>
    %max3A = arith.constant 0.000000e+00 : f32
    %max3A_127 = vector.broadcast %max3A : f32 to vector<2048x128xf32>
    %max3A_128 = arith.maximumf %add3A_126, %max3A_127 : vector<2048x128xf32>
    %get3A_129 = arith.constant 0 : index
    %get3A_130 = arith.constant 0 : index
    %get3A_131 = vector.load %arg13[%get3A_129, %get3A_130] : memref<128x128xf32, #tpu.memory_space<vmem>>, vector<128x128xf32>
    %dot_general3A_132 = arith.constant dense<0.000000e+00> : vector<2048x128xf32>
    %dot_general3A_133 = tpu.matmul %max3A_128, %get3A_131, %dot_general3A_132 {dimension_numbers = #tpu.dot_dimension_numbers<[1], [0], [0], [1], [0, 0, 1, 1], [], []>, transpose_lhs_hint = false} : vector<2048x128xf32>, vector<128x128xf32>, vector<2048x128xf32> -> vector<2048x128xf32>
    %get3A_134 = arith.constant 0 : index
    %get3A_135 = arith.constant 0 : index
    %get3A_136 = vector.load %arg14[%get3A_134, %get3A_135] : memref<1x128xf32, #tpu.memory_space<vmem>>, vector<1x128xf32>
    %add3A_137 = vector.broadcast %get3A_136 : vector<1x128xf32> to vector<2048x128xf32>
    %add3A_138 = arith.addf %dot_general3A_133, %add3A_137 : vector<2048x128xf32>
    %get3A_139 = arith.constant 0 : index
    %get3A_140 = arith.constant 0 : index
    %get3A_141 = vector.load %arg15[%get3A_139, %get3A_140] : memref<128x128xf32, #tpu.memory_space<vmem>>, vector<128x128xf32>
    %dot_general3A_142 = arith.constant dense<0.000000e+00> : vector<2048x128xf32>
    %dot_general3A_143 = tpu.matmul %add3A_138, %get3A_141, %dot_general3A_142 {dimension_numbers = #tpu.dot_dimension_numbers<[1], [0], [0], [1], [0, 0, 1, 1], [], []>, transpose_lhs_hint = false} : vector<2048x128xf32>, vector<128x128xf32>, vector<2048x128xf32> -> vector<2048x128xf32>
    %get3A_144 = arith.constant 0 : index
    %get3A_145 = arith.constant 0 : index
    %get3A_146 = vector.load %arg16[%get3A_144, %get3A_145] : memref<1x128xf32, #tpu.memory_space<vmem>>, vector<1x128xf32>
    %add3A_147 = vector.broadcast %get3A_146 : vector<1x128xf32> to vector<2048x128xf32>
    %add3A_148 = arith.addf %dot_general3A_143, %add3A_147 : vector<2048x128xf32>
    %max3A_149 = arith.constant 0.000000e+00 : f32
    %max3A_150 = vector.broadcast %max3A_149 : f32 to vector<2048x128xf32>
    %max3A_151 = arith.maximumf %add3A_148, %max3A_150 : vector<2048x128xf32>
    %get3A_152 = arith.constant 0 : index
    %get3A_153 = arith.constant 0 : index
    %get3A_154 = vector.load %arg17[%get3A_152, %get3A_153] : memref<128x2xf32, #tpu.memory_space<vmem>>, vector<128x2xf32>
    %dot_general3A_155 = arith.constant dense<0.000000e+00> : vector<2048x2xf32>
    %dot_general3A_156 = tpu.matmul %max3A_151, %get3A_154, %dot_general3A_155 {dimension_numbers = #tpu.dot_dimension_numbers<[1], [0], [0], [1], [0, 0, 1, 1], [], []>, transpose_lhs_hint = false} : vector<2048x128xf32>, vector<128x2xf32>, vector<2048x2xf32> -> vector<2048x2xf32>
    %get3A_157 = arith.constant 0 : index
    %get3A_158 = arith.constant 0 : index
    %get3A_159 = vector.load %arg18[%get3A_157, %get3A_158] : memref<1x2xf32, #tpu.memory_space<vmem>>, vector<1x2xf32>
    %add3A_160 = vector.broadcast %get3A_159 : vector<1x2xf32> to vector<2048x2xf32>
    %add3A_161 = arith.addf %dot_general3A_156, %add3A_160 : vector<2048x2xf32>
    %swap3A = arith.constant 0 : index
    %swap3A_162 = arith.constant 0 : index
    %swap3A_163 = vector.load %arg19[%swap3A, %swap3A_162] : memref<2048x2xf32, #tpu.memory_space<vmem>>, vector<2048x2xf32>
    tpu.vector_store %arg19[%swap3A, %swap3A_162], %add3A_161 {strides = array<i32>} : memref<2048x2xf32, #tpu.memory_space<vmem>>, vector<2048x2xf32>,
    return
  }
  func.func @transform_0(%arg0: i32) -> (i32, i32, i32) {
    %c0_i32 = arith.constant 0 : i32
    %c0_i32_0 = arith.constant 0 : i32
    %c0_i32_1 = arith.constant 0 : i32
    return %c0_i32, %arg0, %c0_i32_0 : i32, i32, i32
  }
  func.func @transform_1(%arg0: i32) -> (i32, i32) {
    %c0_i32 = arith.constant 0 : i32
    %c0_i32_0 = arith.constant 0 : i32
    return %arg0, %c0_i32 : i32, i32
  }
  func.func @transform_2(%arg0: i32) -> (i32, i32) {
    %c0_i32 = arith.constant 0 : i32
    %c0_i32_0 = arith.constant 0 : i32
    return %arg0, %c0_i32 : i32, i32
  }
  func.func @transform_3(%arg0: i32) -> (i32, i32) {
    %c0_i32 = arith.constant 0 : i32
    %c0_i32_0 = arith.constant 0 : i32
    %c0_i32_1 = arith.constant 0 : i32
    return %c0_i32, %c0_i32_0 : i32, i32
  }
  func.func @transform_4(%arg0: i32) -> (i32, i32) {
    %c0_i32 = arith.constant 0 : i32
    %c0_i32_0 = arith.constant 0 : i32
    %c0_i32_1 = arith.constant 0 : i32
    return %c0_i32, %c0_i32_0 : i32, i32
  }
  func.func @transform_5(%arg0: i32) -> (i32, i32) {
    %c0_i32 = arith.constant 0 : i32
    %c0_i32_0 = arith.constant 0 : i32
    %c0_i32_1 = arith.constant 0 : i32
    return %c0_i32, %c0_i32_0 : i32, i32
  }
  func.func @transform_6(%arg0: i32) -> (i32, i32) {
    %c0_i32 = arith.constant 0 : i32
    %c0_i32_0 = arith.constant 0 : i32
    %c0_i32_1 = arith.constant 0 : i32
    return %c0_i32, %c0_i32_0 : i32, i32
  }
  func.func @transform_7(%arg0: i32) -> (i32, i32, i32) {
    %c0_i32 = arith.constant 0 : i32
    %c0_i32_0 = arith.constant 0 : i32
    %c0_i32_1 = arith.constant 0 : i32
    %c0_i32_2 = arith.constant 0 : i32
    return %c0_i32, %c0_i32_0, %c0_i32_1 : i32, i32, i32
  }
  func.func @transform_8(%arg0: i32) -> (i32, i32) {
    %c0_i32 = arith.constant 0 : i32
    %c0_i32_0 = arith.constant 0 : i32
    %c0_i32_1 = arith.constant 0 : i32
    return %c0_i32, %c0_i32_0 : i32, i32
  }
  func.func @transform_9(%arg0: i32) -> (i32, i32) {
    %c0_i32 = arith.constant 0 : i32
    %c0_i32_0 = arith.constant 0 : i32
    %c0_i32_1 = arith.constant 0 : i32
    return %c0_i32, %c0_i32_0 : i32, i32
  }
  func.func @transform_10(%arg0: i32) -> (i32, i32) {
    %c0_i32 = arith.constant 0 : i32
    %c0_i32_0 = arith.constant 0 : i32
    %c0_i32_1 = arith.constant 0 : i32
    return %c0_i32, %c0_i32_0 : i32, i32
  }
  func.func @transform_11(%arg0: i32) -> (i32, i32) {
    %c0_i32 = arith.constant 0 : i32
    %c0_i32_0 = arith.constant 0 : i32
    %c0_i32_1 = arith.constant 0 : i32
    return %c0_i32, %c0_i32_0 : i32, i32
  }
  func.func @transform_12(%arg0: i32) -> (i32, i32) {
    %c0_i32 = arith.constant 0 : i32
    %c0_i32_0 = arith.constant 0 : i32
    %c0_i32_1 = arith.constant 0 : i32
    return %c0_i32, %c0_i32_0 : i32, i32
  }
  func.func @transform_13(%arg0: i32) -> (i32, i32) {
    %c0_i32 = arith.constant 0 : i32
    %c0_i32_0 = arith.constant 0 : i32
    %c0_i32_1 = arith.constant 0 : i32
    return %c0_i32, %c0_i32_0 : i32, i32
  }
  func.func @transform_14(%arg0: i32) -> (i32, i32) {
    %c0_i32 = arith.constant 0 : i32
    %c0_i32_0 = arith.constant 0 : i32
    %c0_i32_1 = arith.constant 0 : i32
    return %c0_i32, %c0_i32_0 : i32, i32
  }
  func.func @transform_15(%arg0: i32) -> (i32, i32) {
    %c0_i32 = arith.constant 0 : i32
    %c0_i32_0 = arith.constant 0 : i32
    %c0_i32_1 = arith.constant 0 : i32
    return %c0_i32, %c0_i32_0 : i32, i32
  }
  func.func @transform_16(%arg0: i32) -> (i32, i32) {
    %c0_i32 = arith.constant 0 : i32
    %c0_i32_0 = arith.constant 0 : i32
    %c0_i32_1 = arith.constant 0 : i32
    return %c0_i32, %c0_i32_0 : i32, i32
  }
  func.func @transform_17(%arg0: i32) -> (i32, i32) {
    %c0_i32 = arith.constant 0 : i32
    %c0_i32_0 = arith.constant 0 : i32
    %c0_i32_1 = arith.constant 0 : i32
    return %c0_i32, %c0_i32_0 : i32, i32
  }
  func.func @transform_18(%arg0: i32) -> (i32, i32) {
    %c0_i32 = arith.constant 0 : i32
    %c0_i32_0 = arith.constant 0 : i32
    return %arg0, %c0_i32 : i32, i32
  }
}

</mosaic_0001>

<sc_bundles>
// kernel: kernel.4.cloned.1.call-start
scs
__scs_entry_jumppad:
0x0: {  	(pc) =	sbr.rel $0x88, $3  }
0x1: {  	(tag) =	ssettag $0x0;
	lr =	simm.s32 $0x1  }
0x2: {  	[smem:$0x3F82] =	sst lr;
	_ =	strace $0xD0000000  }
0x3: {  	_ = 	snop  }
0x4: {  	_ = 	snop  }
0x5: {  	_ = 	snop  }
0x6: {  	_ = 	snop  }
0x7: {  	_ = 	snop  }
__scs_overlays_trampoline_lowered:
0x8: {  	[smem:$0x3F91] =	sst s0  }
0x9: {  	[smem:$0x3F92] =	sst s1  }
0xa: {  	[smem:$0x3F93] =	sst s2  }
0xb: {  	[smem:$0x3F94] =	sst s3  }
0xc: {  	[smem:$0x3F95] =	sst s4  }
0xd: {  	[smem:$0x3F96] =	sst s5  }
0xe: {  	[smem:$0x3F97] =	sst s6  }
0xf: {  	[smem:$0x3F98] =	sst s7  }
0x10: {  	[smem:$0x3F99] =	sst s8  }
0x11: {  	[smem:$0x3F9A] =	sst s9;
	s0 =	simm.s32 @!p0 $0x0  }
0x12: {  	s1 =	sld [smem:$0x3F80];
	s0 =	simm.s32 @p0 $0x1  }
0x13: {  	[smem:$0x3F9B] =	sst s0;
	s0 =	simm.s32 @!p1 $0x0  }
0x14: {  	s2 =	sld [smem:$0x3F7F];
	s0 =	simm.s32 @p1 $0x1  }
0x15: {  	[smem:$0x3F9C] =	sst s0;
	s0 =	simm.s32 @!p2 $0x0  }
0x16: {  	s3 =	sld [smem:$0x3FDB];
	s0 =	simm.s32 @p2 $0x1  }
0x17: {  	s4 =	simm.s32 $0x1BF5;
	[smem:$0x3F9E] =	sst s0  }
0x18: {  	s0 =	sld [smem:$0x3F81];
	_ =	swait.ge [sflag:s4], $0x0  }
0x19: {  	s7 =	sld [smem:$0x3F82]  }
0x1a: {  	s8 =	sadd.s32 $0xFFFFE003, lr  }
0x1b: {  	s9 =	sadd.s32 $0xFFFFFEF7, lr;
	s5 =	simm.s32 $0xFFFFFFFF;
	p2 =	slt.u32 s8, $0xFFFFF086  }
0x1c: {  	p1 =	slt.u32 s9, $0xF7A;
	s5 =	simm.s32 @!p2 $0x0  }
0x1d: {  	s5 =	simm.s32 @p1 $0x1;
	p0 =	seq.s32 s7, s2  }
0x1e: {  	s7 =	smul.u32 @!p0 $0xF7A, s2;
	p2 =	seq.s32 @!p0 s5, $0x0  }
0x1f: {  	s9 =	smul.u32 $0xF7A, s1;
	s8 =	simm.s32 @!p0 $0x1BF5;
	p2 =	por !p2, p0  }
0x20: {  	[sflag:s8] =	ssyncset.s32 @!p0 $0xFFFFF086;
	s6 =	sadd.s32 @!p0 s3, s7;
	s7 =	simm.s32 @!p0 $0x108  }
0x21: {  	s3 =	sadd.s32 s3, s9;
	s6 =	sadd.s32 @!p0 $0x88, s6;
	s7 =	simm.s32 @p2 $0x1082  }
0x22: {  	[simem:s7], [sflag:s8] =	dma.local @!p0 [hbm:s6], $0xF7A  }
0x23: {  	s9 =	sor.u32 $0xD0000000, s2;
	s6 =	simm.s32 $0x108;
	_ =	swait.ge @!p0 [sflag:s8], $0x0  }
0x24: {  	s3 =	sadd.s32 $0x88, s3;
	s6 =	simm.s32 @!p1 $0x1082;
	[sflag:s4] =	ssyncset.s32 $0xFFFFF086  }
0x25: {  	[simem:s6], [sflag:s4] =	dma.local [hbm:s3], $0xF7A  }
0x26: {  	[smem:$0x3F82] =	sst s1;
	(tag) =	ssettag s2;
	_ =	strace s9  }
0x27: {  	s1 =	sld [smem:$0x3F92]  }
0x28: {  	s2 =	sld [smem:$0x3F93]  }
0x29: {  	s4 =	sld [smem:$0x3F95]  }
0x2a: {  	p0 =	seq.s32 s5, $0x0;
	s5 =	sld [smem:$0x3F96]  }
0x2b: {  	s6 =	sld [smem:$0x3F97]  }
0x2c: {  	s7 =	sld [smem:$0x3F98]  }
0x2d: {  	s3 =	simm.s32 $0x108;
	s8 =	sld [smem:$0x3F99]  }
0x2e: {  	s3 =	simm.s32 @!p0 $0x1082;
	s9 =	sld [smem:$0x3F9A]  }
0x2f: {  	lr =	sadd.s32 s0, s3;
	s0 =	sld [smem:$0x3F91]  }
0x30: {  	s3 =	sld [smem:$0x3F94]  }
0x31: {  	[smem:$0x3F9D] =	sst s10  }
0x32: {  	s10 =	sld [smem:$0x3F9B];
	_ =	sdelay $0x3  }
0x33: {  	p0 =	seq.s32 s10, $0x1;
	s10 =	sld [smem:$0x3F9D];
	_ =	sdelay $0x3  }
0x34: {  	[smem:$0x3F9D] =	sst s10  }
0x35: {  	s10 =	sld [smem:$0x3F9C];
	_ =	sdelay $0x3  }
0x36: {  	p1 =	seq.s32 s10, $0x1;
	s10 =	sld [smem:$0x3F9D];
	_ =	sdelay $0x3  }
0x37: {  	[smem:$0x3F9D] =	sst s10  }
0x38: {  	s10 =	sld [smem:$0x3F9E]  }
0x39: {  	_ = 	snop;
	(pc) =	sbr.ind lr, $3  }
0x3a: {  	_ = 	snop  }
0x3b: {  	_ = 	snop  }
0x3c: {  	p2 =	seq.s32 s10, $0x1;
	s10 =	sld [smem:$0x3F9D]  }
0x3d: {  	_ =	shalt  }
0x3e: {  	_ =	shalt  }
0x3f: {  	_ =	shalt  }
0x40: {  	_ =	shalt  }
0x41: {  	_ =	shalt  }
0x42: {  	_ =	shalt  }
0x43: {  	_ =	shalt  }
0x44: {  	_ =	shalt  }
0x45: {  	_ =	shalt  }
0x46: {  	_ =	shalt  }
0x47: {  	_ =	shalt  }
0x48: {  	_ =	shalt  }
0x49: {  	_ =	shalt  }
0x4a: {  	_ =	shalt  }
0x4b: {  	_ =	shalt  }
0x4c: {  	_ =	shalt  }
0x4d: {  	_ =	shalt  }
0x4e: {  	_ =	shalt  }
0x4f: {  	_ =	shalt  }
0x50: {  	_ =	shalt  }
0x51: {  	_ =	shalt  }
0x52: {  	_ =	shalt  }
0x53: {  	_ =	shalt  }
0x54: {  	_ =	shalt  }
0x55: {  	_ =	shalt  }
0x56: {  	_ =	shalt  }
0x57: {  	_ =	shalt  }
0x58: {  	_ =	shalt  }
0x59: {  	_ =	shalt  }
0x5a: {  	_ =	shalt  }
0x5b: {  	_ =	shalt  }
0x5c: {  	_ =	shalt  }
0x5d: {  	_ =	shalt  }
0x5e: {  	_ =	shalt  }
0x5f: {  	_ =	shalt  }
0x60: {  	_ =	shalt  }
0x61: {  	_ =	shalt  }
0x62: {  	_ =	shalt  }
0x63: {  	_ =	shalt  }
0x64: {  	_ =	shalt  }
0x65: {  	_ =	shalt  }
0x66: {  	_ =	shalt  }
0x67: {  	_ =	shalt  }
0x68: {  	_ =	shalt  }
0x69: {  	_ =	shalt  }
0x6a: {  	_ =	shalt  }
0x6b: {  	_ =	shalt  }
0x6c: {  	_ =	shalt  }
0x6d: {  	_ =	shalt  }
0x6e: {  	_ =	shalt  }
0x6f: {  	_ =	shalt  }
0x70: {  	_ =	shalt  }
0x71: {  	_ =	shalt  }
0x72: {  	_ =	shalt  }
0x73: {  	_ =	shalt  }
0x74: {  	_ =	shalt  }
0x75: {  	_ =	shalt  }
0x76: {  	_ =	shalt  }
0x77: {  	_ =	shalt  }
0x78: {  	_ =	shalt  }
0x79: {  	_ =	shalt  }
0x7a: {  	_ =	shalt  }
0x7b: {  	_ =	shalt  }
0x7c: {  	_ =	shalt  }
0x7d: {  	_ =	shalt  }
0x7e: {  	_ =	shalt  }
0x7f: {  	_ =	shalt  }
0x80: {  	_ =	shalt  }
0x81: {  	_ =	shalt  }
0x82: {  	_ =	shalt  }
0x83: {  	_ =	shalt  }
0x84: {  	_ =	shalt  }
0x85: {  	_ =	shalt  }
0x86: {  	_ =	shalt  }
0x87: {  	_ =	shalt  }
.Lfunc_end0:
.L_simem_size_0:
called_computation_lowered:
.L_overlay_start_0:
0x88: {  	s2 =	sld [smem:$0x3FD9]  }
0x89: {  	s3 =	sld [smem:$0x3FFE];
	_ =	sdelay $0x1  }
0x8a: {  	s1 =	srdreg.scid  }
0x8b: {  	s0 =	sand.u32 $0x1, s1  }
0x8c: {  	s14 =	sshll.u32 s0, $0xA;
	s2 =	sadd.s32 s3, s2  }
0x8d: {  	s2 =	sadd.s32 s2, s14  }
0x8e: {  	[smem:$0x3FA9] =	sst s2  }
0x8f: {  	_ = 	snop  }
0x90: {  	s2 =	sld [smem:$0x3FD0];
	_ =	sdelay $0x2  }
0x91: {  	s15 =	simm.s32 $0xA;
	s4 =	simm.s32 $0x10  }
0x92: {  	[smem:s4], [sflag:s15] =	dma.local [hbm:s2], $0x1  }
0x93: {  	_ =	swait.eq [sflag:s15], $0x1  }
0x94: {  	[sflag:s15] =	ssyncset.done $0x0  }
0x95: {  	s16 =	sld [smem:$0x10];
	[sflag:s15] =	ssyncadd.s32 $0xFFFFFFFF  }
0x96: {  	s17 =	sld [smem:$0x11];
	(tm) =	ssettm $0x1  }
0x97: {  	s18 =	sld [smem:$0x3FFB];
	_ =	sdelay $0x3  }
0x98: {  	_ =	strace s18  }
0x99: {  	s4 =	sld [smem:$0x3FFC];
	_ =	sdelay $0x3  }
0x9a: {  	_ =	strace s4  }
0x9b: {  	s4 =	sld [smem:$0x3FFD];
	_ =	sdelay $0x3  }
0x9c: {  	_ =	strace s4  }
0x9d: {  	_ =	strace $0x8FFFFFFF  }
0x9e: {  	s19 =	sld [smem:$0x3FDB];
	_ =	sdelay $0x1  }
0x9f: {  	s5 =	simm.s32 $_scs_section_size  }
0xa0: {  	s6 =	simm.s32 $_size__tile_overlayer_lowered;
	s7 =	simm.s32 $_tile_overlayer_lowered  }
0xa1: {  	s22 =	simm.s32 $0x1BFF;
	s21 =	sshll.u32 s7, $0x1;
	s4 =	sadd.s32 s5, s19  }
0xa2: {  	s8 =	simm.s32 $0x0;
	s20 =	sshll.u32 s6, $0x1;
	s6 =	sadd.s32 s21, s4  }
0xa3: {  	[timem:s8], [sflag:s22] =	dma.local [hbm:s6], s20  }
0xa4: {  	_ =	swait.ge [sflag:s22], s20  }
0xa5: {  	s5 =	ssub.s32 $0x0, s20;
	[sflag:s22] =	ssyncset.done $0x0  }
0xa6: {  	[sflag:s22] =	ssyncadd.s32 s5;
	_ =	sdelay $0x1  }
0xa7: {  	s23 =	simm.s32 $0x1B8B  }
0xa8: {  	_ =	swait.ge [sflag:s23], $0x1  }
0xa9: {  	[sflag:s23] =	ssyncset.done $0x0  }
0xaa: {  	s25 =	simm.s32 $0x1B8E;
	s24 =	sld [smem:$0x3FFE];
	[sflag:s23] =	ssyncadd.s32 $0xFFFFFFFF  }
0xab: {  	s26 =	simm.s32 $execute0_lowered;
	[smem:$0x3FD2] =	sst s25  }
0xac: {  	s6 =	sshll.u32 s26, $0x1;
	_ =	strace $0x80000046;
	[dreg:$0x1] =	wrdreg $0xFFFFFFFF  }
0xad: {  	s28 =	simm.s32 $_size_execute0_lowered;
	s4 =	sadd.s32 s4, s6;
	[dreg:$0x0] =	wrdreg $0x0  }
0xae: {  	s6 =	sshll.u32 s28, $0x1;
	[dreg:$0x2] =	wrdreg s4  }
0xaf: {  	[dreg:$0x3] =	wrdreg s6  }
0xb0: {  	[dreg:$0x4] =	wrdreg $0xC0  }
0xb1: {  	_ =	task [dreg:s8], $0x5FFFF  }
0xb2: {  	[dreg:$0x1] =	wrdreg $0xFFFFFFFF  }
0xb3: {  	[dreg:$0x0] =	wrdreg $0x60  }
0xb4: {  	[dreg:$0x2] =	wrdreg s24  }
0xb5: {  	[dreg:$0x3] =	wrdreg s16  }
0xb6: {  	[dreg:$0x4] =	wrdreg s17  }
0xb7: {  	[dreg:$0x5] =	wrdreg $0x9  }
0xb8: {  	_ =	task.clear_ibuf [dreg:s8], $0x6FFFF;
	_ =	strace $0x90000046  }
0xb9: {  	s29 =	simm.s32 $0x9;
	_ =	strace $0x80000048  }
0xba: {  	_ =	swait.ge [sflag:s29], $0x1  }
0xbb: {  	[sflag:s29] =	ssyncadd.s32 $0xFFFFFFFF  }
0xbc: {  	_ =	strace $0x90000048  }
0xbd: {  	_ =	sfence  }
0xbe: {  	s30 =	sld [smem:$0x0];
	_ =	sdelay $0x2  }
0xbf: {  	s31 =	sshll.u32 s1, $0xD;
	s1 =	sshrl.u32 s1, $0x2  }
0xc0: {  	s3 =	sand.u32 $0x4000, s31;
	s1 =	sadd.s32 s1, s30  }
0xc1: {  	s0 =	sor.u32 s3, s0;
	s1 =	sshll.u32 s1, $0x11  }
0xc2: {  	s0 =	sor.u32 s1, s0  }
0xc3: {  	s0 =	sadd.s32 $0x8F2B, s0  }
0xc4: {  	[sflag:s0] =	ssyncadd.remote.s32 $0x1  }
0xc5: {  	_ =	sfence.sel $0xFFFF  }
0xc6: {  	[dreg:$0x0] =	wrdreg $0xFFFFFFFF;
	(pc) =	sbr.abs _section_cstart, $3  }
0xc7: {  	[dreg:$0x1] =	wrdreg $0xFFFFFFFF  }
0xc8: {  	_ =	task.clear_ibuf [dreg:s8], $0x2FFFF;
	_ =	strace $0x9FFFFFFF  }
0xc9: {  	(tm) =	ssettm $0x7FFFFFFF  }
tec
execute0_lowered:
.L_overlay_start_1:
0x0: {  	(tag) =	ssettag $0x1  }
0x1: {  	s0 =	rddreg [dreg:$0x0]  }
0x2: {  	s1 =	srdreg.scid;
	s2 =	stileid.u32;
	s3 =	simm.s32 $0x0  }
0x3: {  	s28 =	simm.s32 $0x1880;
	s30 =	simm.s32 $0x1A100;
	s31 =	simm.s32 $0x1CB00  }
0x4: {  	s1 =	sand.u32 $0x1, s1;
	s2 =	sshll.u32 s2, $0x1;
	s4 =	sadd.s32 $0x68200, s0  }
0x5: {  	[smem:$0x7FF] =	sst s3;
	s29 =	sadd.s32 $0xF46600, s0;
	s5 =	ssub.s32 $0x2, s1  }
0x6: {  	s1 =	sor.u32 s1, s2;
	s2 =	sadd.s32 $0x6D200, s0;
	s6 =	sshrl.u32 s5, $0x1  }
0x7: {  	s7 =	sshll.u32 s1, $0x9;
	s21 =	sshll.u32 s1, $0x6;
	s10 =	sshll.u32 s1, $0xA  }
0x8: {  	s5 =	ssub.s32 s5, s6;
	s8 =	sor.u32 $0x4000, s7;
	s6 =	sadd.s32 s4, s21  }
0x9: {  	s9 =	sor.u32 $0x8000, s7;
	s24 =	sor.u32 $0xC000, s7;
	s11 =	sor.u32 $0x10000, s7  }
0xa: {  	s14 =	sor.u32 $0x14000, s7;
	s17 =	sor.u32 $0x1C000, s7;
	s10 =	sadd.s32 s2, s10  }
0xb: {  	[dreg:$0x4] =	wrdreg s6;
	s22 =	sshrl.u32 s8, $0x3;
	s23 =	sshrl.u32 s9, $0x3  }
0xc: {  	s12 =	sshrl.u32 s24, $0x3;
	s13 =	sshrl.u32 s11, $0x3;
	s26 =	sshrl.u32 s14, $0x3  }
0xd: {  	s16 =	sshrl.u32 s17, $0x3;
	s20 =	sshll.u32 s8, $0x1;
	s6 =	sadd.s32 s4, s22  }
0xe: {  	s21 =	sshll.u32 s9, $0x1;
	s12 =	sadd.s32 s4, s12;
	[dreg:$0x5] =	wrdreg s6  }
0xf: {  	s8 =	simm.s32 $0x3;
	s25 =	sadd.s32 s4, s13;
	[dreg:$0x7] =	wrdreg s12  }
0x10: {  	s13 =	sor.u32 $0x18000, s7;
	s18 =	sadd.s32 s4, s16;
	[dreg:$0x8] =	wrdreg s25  }
0x11: {  	s7 =	sor.u32 $0x20000, s7;
	s22 =	sadd.s32 s2, s21;
	[dreg:$0xb] =	wrdreg s18  }
0x12: {  	s16 =	sadd.s32 $0x6D000, s0;
	s6 =	sadd.s32 s4, s23;
	[dreg:$0xf] =	wrdreg s22  }
0x13: {  	s12 =	sadd.s32 s4, s26;
	s15 =	sshrl.u32 s13, $0x3;
	[dreg:$0x6] =	wrdreg s6  }
0x14: {  	s19 =	sshrl.u32 s7, $0x3;
	[dreg:$0x9] =	wrdreg s12;
	s15 =	sadd.s32 s4, s15  }
0x15: {  	s26 =	sshll.u32 s17, $0x1;
	s4 =	sadd.s32 s4, s19;
	[dreg:$0xa] =	wrdreg s15  }
0x16: {  	s21 =	smax.u32 s5, $0x1;
	s9 =	sadd.s32 s2, s26;
	[dreg:$0xc] =	wrdreg s4  }
0x17: {  	s6 =	sshll.u32 s24, $0x1;
	s4 =	sadd.s32 s2, s20;
	[dreg:$0x13] =	wrdreg s9  }
0x18: {  	s25 =	sshll.u32 s13, $0x1;
	s23 =	sadd.s32 s2, s6;
	[dreg:$0xe] =	wrdreg s4  }
0x19: {  	s24 =	sshll.u32 s14, $0x1;
	s6 =	sadd.s32 s2, s25;
	[dreg:$0x10] =	wrdreg s23  }
0x1a: {  	s12 =	sshll.u32 s7, $0x1;
	s4 =	sadd.s32 s2, s24;
	[dreg:$0x12] =	wrdreg s6  }
0x1b: {  	s5 =	simm.s32 $0x18900;
	[dreg:$0x11] =	wrdreg s4;
	s4 =	sadd.s32 s2, s12  }
0x1c: {  	s13 =	sshll.u32 s11, $0x1;
	s14 =	sadd.s32 $0x112EC00, s0;
	[dreg:$0x14] =	wrdreg s4  }
0x1d: {  	s15 =	sadd.s32 $0x6CC00, s0;
	_ =	strace $0x80000047;
	[dreg:$0x15] =	wrdreg s14  }
0x1e: {  	s17 =	sadd.s32 $0x18AC00, s0;
	s18 =	sadd.s32 $0x6CA00, s0;
	[dreg:$0x16] =	wrdreg s15  }
0x1f: {  	s22 =	sadd.s32 s2, s13;
	s13 =	simm.s32 $0x17900;
	[dreg:$0x17] =	wrdreg s16  }
0x20: {  	s7 =	simm.s32 $0x0;
	s25 =	sadd.s32 $0x48000, s10;
	[dreg:$0x18] =	wrdreg s17  }
0x21: {  	s24 =	sadd.s32 $0x4200, s0;
	s0 =	sadd.s32 $0x6CE00, s0;
	[dreg:$0x19] =	wrdreg s18  }
0x22: {  	s9 =	simm.s32 $0x80;
	s23 =	smul.u32 $0x19000, s1;
	[dreg:$0x1a] =	wrdreg s0  }
0x23: {  	s1 =	simm.s32 $0xC80;
	s6 =	simm.s32 $0x1780;
	[dreg:$0x1c] =	wrdreg s21  }
0x24: {  	s2 =	simm.s32 $0x19100;
	s19 =	sshrl.u32 s23, $0x3;
	[dreg:$0xd] =	wrdreg s10  }
0x25: {  	s26 =	sadd.s32 $0x1900, s23;
	s4 =	simm.s32 $0x1700;
	[dreg:$0x1d] =	wrdreg s25  }
0x26: {  	s20 =	sadd.s32 s24, s19;
	[dreg:$0x1e] =	wrdreg s26;
	s19 =	simm.s32 $0x1  }
0x27: {  	s0 =	simm.s32 $0x1680;
	s10 =	simm.s32 $0x18100;
	s25 =	simm.s32 $0x1800  }
0x28: {  	s26 =	simm.s32 $0x19900;
	s17 =	simm.s32 $0x2;
	[dreg:$0x1b] =	wrdreg s20  }
.LBB2_1:
0x29: {  	[dreg:$0x1f] =	wrdreg s7  }
0x2a: {  	s11 =	rddreg [dreg:$0x4];
	s12 =	simm.s32 $0x1A900  }
0x2b: {  	[tilespmem:s12], [sflag:$0x3] =	stream.linear.gather [hbm4b:s11+s3], $0x200, $0x38;
	[tilespmem:$0x1CC00] =	vst v63  }
0x2c: {  	_ =	swait.ge [sflag:s8], $0x200  }
0x2d: {  	[sflag:s8] =	ssyncset.done $0x0  }
0x2e: {  	s14 =	simm.s32 $0x1AB00;
	s11 =	rddreg [dreg:$0x15];
	[sflag:s8] =	ssyncadd.s32 $0xFFFFFE00  }
0x2f: {  	[tilespmem:s14], [sflag:$0x1] =	stream.indirect.gather [hbm4b:s11+s9], $0x10, s12, s9, $0xb8;
	[tilespmem:$0x1CC00] =	vst v63  }
0x30: {  	s15 =	simm.s32 $0x1A980;
	s16 =	simm.s32 $0x1B300  }
0x31: {  	[tilespmem:s16], [sflag:$0x1] =	stream.indirect.gather [hbm4b:s11+s9], $0x10, s15, s9, $0xb8;
	[tilespmem:$0x1CC00] =	vst v63  }
0x32: {  	s18 =	simm.s32 $0x1AA00;
	s20 =	simm.s32 $0x1BB00  }
0x33: {  	[tilespmem:s20], [sflag:$0x1] =	stream.indirect.gather [hbm4b:s11+s9], $0x10, s18, s9, $0xb8;
	[tilespmem:$0x1CC00] =	vst v63  }
0x34: {  	s7 =	simm.s32 $0x1AA80;
	s21 =	simm.s32 $0x1C300  }
0x35: {  	[tilespmem:s21], [sflag:$0x1] =	stream.indirect.gather [hbm4b:s11+s9], $0x10, s7, s9, $0xb8;
	[tilespmem:$0x1CC00] =	vst v63  }
0x36: {  	_ =	swait.ge [sflag:s19], $0x2000  }
0x37: {  	[sflag:s19] =	ssyncset.done $0x0  }
0x38: {  	s11 =	rddreg [dreg:$0xd];
	[sflag:s19] =	ssyncadd.s32 $0xFFFFE000  }
0x39: {  	[hbm4b:s11+s3] =	stream.linear.scatter [tilespmem:s14], [sflag:$0x3], $0x2000, $0x38;
	[tilespmem:$0x1CC00] =	vst v63  }
0x3a: {  	_ =	swait.ge [sflag:s8], $0x2000  }
0x3b: {  	[sflag:s8] =	ssyncset.done $0x0  }
0x3c: {  	s11 =	rddreg [dreg:$0x5];
	[sflag:s8] =	ssyncadd.s32 $0xFFFFE000  }
0x3d: {  	[tilespmem:s12], [sflag:$0x3] =	stream.linear.gather [hbm4b:s11+s3], $0x200, $0x38;
	[tilespmem:$0x1CC00] =	vst v63  }
0x3e: {  	_ =	swait.ge [sflag:s8], $0x200  }
0x3f: {  	[sflag:s8] =	ssyncset.done $0x0  }
0x40: {  	s11 =	rddreg [dreg:$0x16];
	[sflag:s8] =	ssyncadd.s32 $0xFFFFFE00  }
0x41: {  	[tilespmem:s14], [sflag:$0x1] =	stream.indirect.gather [hbm4b:s11+s9], $0x10, s12, s9, $0xb8;
	[tilespmem:$0x1CC00] =	vst v63  }
0x42: {  	_ = 	snop  }
0x43: {  	[tilespmem:s16], [sflag:$0x1] =	stream.indirect.gather [hbm4b:s11+s9], $0x10, s15, s9, $0xb8;
	[tilespmem:$0x1CC00] =	vst v63  }
0x44: {  	_ = 	snop  }
0x45: {  	[tilespmem:s20], [sflag:$0x1] =	stream.indirect.gather [hbm4b:s11+s9], $0x10, s18, s9, $0xb8;
	[tilespmem:$0x1CC00] =	vst v63  }
0x46: {  	_ = 	snop  }
0x47: {  	[tilespmem:s21], [sflag:$0x1] =	stream.indirect.gather [hbm4b:s11+s9], $0x10, s7, s9, $0xb8;
	[tilespmem:$0x1CC00] =	vst v63  }
0x48: {  	_ =	swait.ge [sflag:s19], $0x2000  }
0x49: {  	[sflag:s19] =	ssyncset.done $0x0  }
0x4a: {  	s11 =	rddreg [dreg:$0xe];
	[sflag:s19] =	ssyncadd.s32 $0xFFFFE000  }
0x4b: {  	[hbm4b:s11+s3] =	stream.linear.scatter [tilespmem:s14], [sflag:$0x3], $0x2000, $0x38;
	[tilespmem:$0x1CC00] =	vst v63  }
0x4c: {  	_ =	swait.ge [sflag:s8], $0x2000  }
0x4d: {  	[sflag:s8] =	ssyncset.done $0x0  }
0x4e: {  	s11 =	rddreg [dreg:$0x6];
	[sflag:s8] =	ssyncadd.s32 $0xFFFFE000  }
0x4f: {  	[tilespmem:s12], [sflag:$0x3] =	stream.linear.gather [hbm4b:s11+s3], $0x200, $0x38;
	[tilespmem:$0x1CC00] =	vst v63  }
0x50: {  	_ =	swait.ge [sflag:s8], $0x200  }
0x51: {  	[sflag:s8] =	ssyncset.done $0x0  }
0x52: {  	s11 =	rddreg [dreg:$0x17];
	[sflag:s8] =	ssyncadd.s32 $0xFFFFFE00  }
0x53: {  	[tilespmem:s14], [sflag:$0x1] =	stream.indirect.gather [hbm4b:s11+s9], $0x10, s12, s9, $0xb8;
	[tilespmem:$0x1CC00] =	vst v63  }
0x54: {  	_ = 	snop  }
0x55: {  	[tilespmem:s16], [sflag:$0x1] =	stream.indirect.gather [hbm4b:s11+s9], $0x10, s15, s9, $0xb8;
	[tilespmem:$0x1CC00] =	vst v63  }
0x56: {  	_ = 	snop  }
0x57: {  	[tilespmem:s20], [sflag:$0x1] =	stream.indirect.gather [hbm4b:s11+s9], $0x10, s18, s9, $0xb8;
	[tilespmem:$0x1CC00] =	vst v63  }
0x58: {  	_ = 	snop  }
0x59: {  	[tilespmem:s21], [sflag:$0x1] =	stream.indirect.gather [hbm4b:s11+s9], $0x10, s7, s9, $0xb8;
	[tilespmem:$0x1CC00] =	vst v63  }
0x5a: {  	_ =	swait.ge [sflag:s19], $0x2000  }
0x5b: {  	[sflag:s19] =	ssyncset.done $0x0  }
0x5c: {  	s11 =	rddreg [dreg:$0xf];
	[sflag:s19] =	ssyncadd.s32 $0xFFFFE000  }
0x5d: {  	[hbm4b:s11+s3] =	stream.linear.scatter [tilespmem:s14], [sflag:$0x3], $0x2000, $0x38;
	[tilespmem:$0x1CC00] =	vst v63  }
0x5e: {  	_ =	swait.ge [sflag:s8], $0x2000  }
0x5f: {  	[sflag:s8] =	ssyncset.done $0x0  }
0x60: {  	s11 =	rddreg [dreg:$0x7];
	[sflag:s8] =	ssyncadd.s32 $0xFFFFE000  }
0x61: {  	[tilespmem:s12], [sflag:$0x3] =	stream.linear.gather [hbm4b:s11+s3], $0x200, $0x38;
	[tilespmem:$0x1CC00] =	vst v63  }
0x62: {  	_ =	swait.ge [sflag:s8], $0x200  }
0x63: {  	[sflag:s8] =	ssyncset.done $0x0  }
0x64: {  	[sflag:s8] =	ssyncadd.s32 $0xFFFFFE00  }
0x65: {  	s11 =	rddreg [dreg:$0x1]  }
0x66: {  	[tilespmem:s14], [sflag:$0x1] =	stream.indirect.gather [hbm4b:s11+s9], $0x10, s12, s9, $0xb8;
	[tilespmem:$0x1CC00] =	vst v63  }
0x67: {  	_ = 	snop  }
0x68: {  	[tilespmem:s16], [sflag:$0x1] =	stream.indirect.gather [hbm4b:s11+s9], $0x10, s15, s9, $0xb8;
	[tilespmem:$0x1CC00] =	vst v63  }
0x69: {  	_ = 	snop  }
0x6a: {  	[tilespmem:s20], [sflag:$0x1] =	stream.indirect.gather [hbm4b:s11+s9], $0x10, s18, s9, $0xb8;
	[tilespmem:$0x1CC00] =	vst v63  }
0x6b: {  	_ = 	snop  }
0x6c: {  	[tilespmem:s21], [sflag:$0x1] =	stream.indirect.gather [hbm4b:s11+s9], $0x10, s7, s9, $0xb8;
	[tilespmem:$0x1CC00] =	vst v63  }
0x6d: {  	_ =	swait.ge [sflag:s19], $0x2000  }
0x6e: {  	[sflag:s19] =	ssyncset.done $0x0  }
0x6f: {  	s11 =	rddreg [dreg:$0x10];
	[sflag:s19] =	ssyncadd.s32 $0xFFFFE000  }
0x70: {  	[hbm4b:s11+s3] =	stream.linear.scatter [tilespmem:s14], [sflag:$0x3], $0x2000, $0x38;
	[tilespmem:$0x1CC00] =	vst v63  }
0x71: {  	_ =	swait.ge [sflag:s8], $0x2000  }
0x72: {  	[sflag:s8] =	ssyncset.done $0x0  }
0x73: {  	s11 =	rddreg [dreg:$0x8];
	[sflag:s8] =	ssyncadd.s32 $0xFFFFE000  }
0x74: {  	[tilespmem:s12], [sflag:$0x3] =	stream.linear.gather [hbm4b:s11+s3], $0x200, $0x38;
	[tilespmem:$0x1CC00] =	vst v63  }
0x75: {  	_ =	swait.ge [sflag:s8], $0x200  }
0x76: {  	[sflag:s8] =	ssyncset.done $0x0  }
0x77: {  	[sflag:s8] =	ssyncadd.s32 $0xFFFFFE00  }
0x78: {  	[tilespmem:s14], [sflag:$0x1] =	stream.indirect.gather [hbm4b:s29+s9], $0x10, s12, s9, $0xb8;
	[tilespmem:$0x1CC00] =	vst v63  }
0x79: {  	_ = 	snop  }
0x7a: {  	[tilespmem:s16], [sflag:$0x1] =	stream.indirect.gather [hbm4b:s29+s9], $0x10, s15, s9, $0xb8;
	[tilespmem:$0x1CC00] =	vst v63  }
0x7b: {  	_ = 	snop  }
0x7c: {  	[tilespmem:s20], [sflag:$0x1] =	stream.indirect.gather [hbm4b:s29+s9], $0x10, s18, s9, $0xb8;
	[tilespmem:$0x1CC00] =	vst v63  }
0x7d: {  	_ = 	snop  }
0x7e: {  	[tilespmem:s21], [sflag:$0x1] =	stream.indirect.gather [hbm4b:s29+s9], $0x10, s7, s9, $0xb8;
	[tilespmem:$0x1CC00] =	vst v63  }
0x7f: {  	_ =	swait.ge [sflag:s19], $0x2000  }
0x80: {  	[sflag:s19] =	ssyncset.done $0x0  }
0x81: {  	s11 =	rddreg [dreg:$0x11];
	[sflag:s19] =	ssyncadd.s32 $0xFFFFE000  }
0x82: {  	[hbm4b:s11+s3] =	stream.linear.scatter [tilespmem:s14], [sflag:$0x3], $0x2000, $0x38;
	[tilespmem:$0x1CC00] =	vst v63  }
0x83: {  	_ =	swait.ge [sflag:s8], $0x2000  }
0x84: {  	[sflag:s8] =	ssyncset.done $0x0  }
0x85: {  	s11 =	rddreg [dreg:$0x9];
	[sflag:s8] =	ssyncadd.s32 $0xFFFFE000  }
0x86: {  	[tilespmem:s12], [sflag:$0x3] =	stream.linear.gather [hbm4b:s11+s3], $0x200, $0x38;
	[tilespmem:$0x1CC00] =	vst v63  }
0x87: {  	_ =	swait.ge [sflag:s8], $0x200  }
0x88: {  	[sflag:s8] =	ssyncset.done $0x0  }
0x89: {  	[sflag:s8] =	ssyncadd.s32 $0xFFFFFE00  }
0x8a: {  	s11 =	rddreg [dreg:$0x2]  }
0x8b: {  	[tilespmem:s14], [sflag:$0x1] =	stream.indirect.gather [hbm4b:s11+s9], $0x10, s12, s9, $0xb8;
	[tilespmem:$0x1CC00] =	vst v63  }
0x8c: {  	_ = 	snop  }
0x8d: {  	[tilespmem:s16], [sflag:$0x1] =	stream.indirect.gather [hbm4b:s11+s9], $0x10, s15, s9, $0xb8;
	[tilespmem:$0x1CC00] =	vst v63  }
0x8e: {  	_ = 	snop  }
0x8f: {  	[tilespmem:s20], [sflag:$0x1] =	stream.indirect.gather [hbm4b:s11+s9], $0x10, s18, s9, $0xb8;
	[tilespmem:$0x1CC00] =	vst v63  }
0x90: {  	_ = 	snop  }
0x91: {  	[tilespmem:s21], [sflag:$0x1] =	stream.indirect.gather [hbm4b:s11+s9], $0x10, s7, s9, $0xb8;
	[tilespmem:$0x1CC00] =	vst v63  }
0x92: {  	_ =	swait.ge [sflag:s19], $0x2000  }
0x93: {  	[sflag:s19] =	ssyncset.done $0x0  }
0x94: {  	s11 =	rddreg [dreg:$0x12];
	[sflag:s19] =	ssyncadd.s32 $0xFFFFE000  }
0x95: {  	[hbm4b:s11+s3] =	stream.linear.scatter [tilespmem:s14], [sflag:$0x3], $0x2000, $0x38;
	[tilespmem:$0x1CC00] =	vst v63  }
0x96: {  	_ =	swait.ge [sflag:s8], $0x2000  }
0x97: {  	[sflag:s8] =	ssyncset.done $0x0  }
0x98: {  	s11 =	rddreg [dreg:$0xa];
	[sflag:s8] =	ssyncadd.s32 $0xFFFFE000  }
0x99: {  	[tilespmem:s12], [sflag:$0x3] =	stream.linear.gather [hbm4b:s11+s3], $0x200, $0x38;
	[tilespmem:$0x1CC00] =	vst v63  }
0x9a: {  	_ =	swait.ge [sflag:s8], $0x200  }
0x9b: {  	[sflag:s8] =	ssyncset.done $0x0  }
0x9c: {  	s11 =	rddreg [dreg:$0x18];
	[sflag:s8] =	ssyncadd.s32 $0xFFFFFE00  }
0x9d: {  	[tilespmem:s14], [sflag:$0x1] =	stream.indirect.gather [hbm4b:s11+s9], $0x10, s12, s9, $0xb8;
	[tilespmem:$0x1CC00] =	vst v63  }
0x9e: {  	_ = 	snop  }
0x9f: {  	[tilespmem:s16], [sflag:$0x1] =	stream.indirect.gather [hbm4b:s11+s9], $0x10, s15, s9, $0xb8;
	[tilespmem:$0x1CC00] =	vst v63  }
0xa0: {  	_ = 	snop  }
0xa1: {  	[tilespmem:s20], [sflag:$0x1] =	stream.indirect.gather [hbm4b:s11+s9], $0x10, s18, s9, $0xb8;
	[tilespmem:$0x1CC00] =	vst v63  }
0xa2: {  	_ = 	snop  }
0xa3: {  	[tilespmem:s21], [sflag:$0x1] =	stream.indirect.gather [hbm4b:s11+s9], $0x10, s7, s9, $0xb8;
	[tilespmem:$0x1CC00] =	vst v63  }
0xa4: {  	_ =	swait.ge [sflag:s19], $0x2000  }
0xa5: {  	[sflag:s19] =	ssyncset.done $0x0  }
0xa6: {  	s11 =	rddreg [dreg:$0x13];
	[sflag:s19] =	ssyncadd.s32 $0xFFFFE000  }
0xa7: {  	[hbm4b:s11+s3] =	stream.linear.scatter [tilespmem:s14], [sflag:$0x3], $0x2000, $0x38;
	[tilespmem:$0x1CC00] =	vst v63  }
0xa8: {  	_ =	swait.ge [sflag:s8], $0x2000  }
0xa9: {  	[sflag:s8] =	ssyncset.done $0x0  }
0xaa: {  	s11 =	rddreg [dreg:$0xb];
	[sflag:s8] =	ssyncadd.s32 $0xFFFFE000  }
0xab: {  	[tilespmem:s12], [sflag:$0x3] =	stream.linear.gather [hbm4b:s11+s3], $0x200, $0x38;
	[tilespmem:$0x1CC00] =	vst v63  }
0xac: {  	_ =	swait.ge [sflag:s8], $0x200  }
0xad: {  	[sflag:s8] =	ssyncset.done $0x0  }
0xae: {  	s11 =	rddreg [dreg:$0x19];
	[sflag:s8] =	ssyncadd.s32 $0xFFFFFE00  }
0xaf: {  	[tilespmem:s14], [sflag:$0x1] =	stream.indirect.gather [hbm4b:s11+s9], $0x10, s12, s9, $0xb8;
	[tilespmem:$0x1CC00] =	vst v63  }
0xb0: {  	_ = 	snop  }
0xb1: {  	[tilespmem:s16], [sflag:$0x1] =	stream.indirect.gather [hbm4b:s11+s9], $0x10, s15, s9, $0xb8;
	[tilespmem:$0x1CC00] =	vst v63  }
0xb2: {  	_ = 	snop  }
0xb3: {  	[tilespmem:s20], [sflag:$0x1] =	stream.indirect.gather [hbm4b:s11+s9], $0x10, s18, s9, $0xb8;
	[tilespmem:$0x1CC00] =	vst v63  }
0xb4: {  	_ = 	snop  }
0xb5: {  	[tilespmem:s21], [sflag:$0x1] =	stream.indirect.gather [hbm4b:s11+s9], $0x10, s7, s9, $0xb8;
	[tilespmem:$0x1CC00] =	vst v63  }
0xb6: {  	_ =	swait.ge [sflag:s19], $0x2000  }
0xb7: {  	[sflag:s19] =	ssyncset.done $0x0  }
0xb8: {  	s11 =	rddreg [dreg:$0x14];
	[sflag:s19] =	ssyncadd.s32 $0xFFFFE000  }
0xb9: {  	[hbm4b:s11+s3] =	stream.linear.scatter [tilespmem:s14], [sflag:$0x3], $0x2000, $0x38;
	[tilespmem:$0x1CC00] =	vst v63  }
0xba: {  	_ =	swait.ge [sflag:s8], $0x2000  }
0xbb: {  	[sflag:s8] =	ssyncset.done $0x0  }
0xbc: {  	s11 =	rddreg [dreg:$0xc];
	[sflag:s8] =	ssyncadd.s32 $0xFFFFE000  }
0xbd: {  	[tilespmem:s12], [sflag:$0x3] =	stream.linear.gather [hbm4b:s11+s3], $0x200, $0x38;
	[tilespmem:$0x1CC00] =	vst v63  }
0xbe: {  	_ =	swait.ge [sflag:s8], $0x200  }
0xbf: {  	[sflag:s8] =	ssyncset.done $0x0  }
0xc0: {  	s11 =	rddreg [dreg:$0x1a];
	[sflag:s8] =	ssyncadd.s32 $0xFFFFFE00  }
0xc1: {  	[tilespmem:s14], [sflag:$0x1] =	stream.indirect.gather [hbm4b:s11+s9], $0x10, s12, s9, $0xb8;
	[tilespmem:$0x1CC00] =	vst v63  }
0xc2: {  	_ = 	snop  }
0xc3: {  	[tilespmem:s16], [sflag:$0x1] =	stream.indirect.gather [hbm4b:s11+s9], $0x10, s15, s9, $0xb8;
	[tilespmem:$0x1CC00] =	vst v63  }
0xc4: {  	_ = 	snop  }
0xc5: {  	[tilespmem:s20], [sflag:$0x1] =	stream.indirect.gather [hbm4b:s11+s9], $0x10, s18, s9, $0xb8;
	[tilespmem:$0x1CC00] =	vst v63  }
0xc6: {  	_ = 	snop  }
0xc7: {  	[tilespmem:s21], [sflag:$0x1] =	stream.indirect.gather [hbm4b:s11+s9], $0x10, s7, s9, $0xb8;
	[tilespmem:$0x1CC00] =	vst v63  }
0xc8: {  	_ =	swait.ge [sflag:s19], $0x2000  }
0xc9: {  	[sflag:s19] =	ssyncset.done $0x0  }
0xca: {  	s16 =	rddreg [dreg:$0x1d];
	[sflag:s19] =	ssyncadd.s32 $0xFFFFE000  }
0xcb: {  	[hbm4b:s16+s3] =	stream.linear.scatter [tilespmem:s14], [sflag:$0x3], $0x2000, $0x38;
	[tilespmem:$0x1CC00] =	vst v63  }
0xcc: {  	_ =	swait.ge [sflag:s8], $0x2000  }
0xcd: {  	[sflag:s8] =	ssyncset.done $0x0  }
0xce: {  	s18 =	rddreg [dreg:$0x1b];
	[sflag:s8] =	ssyncadd.s32 $0xFFFFE000  }
0xcf: {  	[tilespmem:s3], [sflag:$0x3] =	stream.linear.gather [hbm4b:s18+s3], $0xC80, $0x38;
	[tilespmem:$0x1CC00] =	vst v63  }
0xd0: {  	_ =	swait.ge [sflag:s8], $0xC80  }
0xd1: {  	[sflag:s8] =	ssyncset.done $0x0  }
0xd2: {  	s7 =	simm.s32 $0x1900;
	[sflag:s8] =	ssyncadd.s32 $0xFFFFF380  }
0xd3: {  	[tilespmem:s7], [sflag:$0x1] =	stream.indirect.gather [hbm4b:s29+s9], $0x10, s3, s9, $0xb8;
	[tilespmem:$0x1CC00] =	vst v63  }
0xd4: {  	s20 =	simm.s32 $0x2100  }
0xd5: {  	[tilespmem:s20], [sflag:$0x1] =	stream.indirect.gather [hbm4b:s29+s9], $0x10, s9, s9, $0xb8;
	[tilespmem:$0x1CC00] =	vst v63  }
0xd6: {  	s12 =	simm.s32 $0x2900;
	s21 =	simm.s32 $0x100  }
0xd7: {  	[tilespmem:s12], [sflag:$0x1] =	stream.indirect.gather [hbm4b:s29+s9], $0x10, s21, s9, $0xb8;
	[tilespmem:$0x1CC00] =	vst v63  }
0xd8: {  	s15 =	simm.s32 $0x3100;
	s14 =	simm.s32 $0x180  }
0xd9: {  	[tilespmem:s15], [sflag:$0x1] =	stream.indirect.gather [hbm4b:s29+s9], $0x10, s14, s9, $0xb8;
	[tilespmem:$0x1CC00] =	vst v63  }
0xda: {  	s16 =	simm.s32 $0x200;
	s18 =	simm.s32 $0x3900  }
0xdb: {  	[tilespmem:s18], [sflag:$0x1] =	stream.indirect.gather [hbm4b:s29+s9], $0x10, s16, s9, $0xb8;
	[tilespmem:$0x1CC00] =	vst v63  }
0xdc: {  	s14 =	simm.s32 $0x280;
	s15 =	simm.s32 $0x4100  }
0xdd: {  	[tilespmem:s15], [sflag:$0x1] =	stream.indirect.gather [hbm4b:s29+s9], $0x10, s14, s9, $0xb8;
	[tilespmem:$0x1CC00] =	vst v63  }
0xde: {  	s16 =	simm.s32 $0x300;
	s18 =	simm.s32 $0x4900  }
0xdf: {  	[tilespmem:s18], [sflag:$0x1] =	stream.indirect.gather [hbm4b:s29+s9], $0x10, s16, s9, $0xb8;
	[tilespmem:$0x1CC00] =	vst v63  }
0xe0: {  	s14 =	simm.s32 $0x380;
	s15 =	simm.s32 $0x5100  }
0xe1: {  	[tilespmem:s15], [sflag:$0x1] =	stream.indirect.gather [hbm4b:s29+s9], $0x10, s14, s9, $0xb8;
	[tilespmem:$0x1CC00] =	vst v63  }
0xe2: {  	s16 =	simm.s32 $0x400;
	s18 =	simm.s32 $0x5900  }
0xe3: {  	[tilespmem:s18], [sflag:$0x1] =	stream.indirect.gather [hbm4b:s29+s9], $0x10, s16, s9, $0xb8;
	[tilespmem:$0x1CC00] =	vst v63  }
0xe4: {  	s14 =	simm.s32 $0x480;
	s15 =	simm.s32 $0x6100  }
0xe5: {  	[tilespmem:s15], [sflag:$0x1] =	stream.indirect.gather [hbm4b:s29+s9], $0x10, s14, s9, $0xb8;
	[tilespmem:$0x1CC00] =	vst v63  }
0xe6: {  	s16 =	simm.s32 $0x500;
	s18 =	simm.s32 $0x6900  }
0xe7: {  	[tilespmem:s18], [sflag:$0x1] =	stream.indirect.gather [hbm4b:s29+s9], $0x10, s16, s9, $0xb8;
	[tilespmem:$0x1CC00] =	vst v63  }
0xe8: {  	s14 =	simm.s32 $0x580;
	s15 =	simm.s32 $0x7100  }
0xe9: {  	[tilespmem:s15], [sflag:$0x1] =	stream.indirect.gather [hbm4b:s29+s9], $0x10, s14, s9, $0xb8;
	[tilespmem:$0x1CC00] =	vst v63  }
0xea: {  	s16 =	simm.s32 $0x600;
	s18 =	simm.s32 $0x7900  }
0xeb: {  	[tilespmem:s18], [sflag:$0x1] =	stream.indirect.gather [hbm4b:s29+s9], $0x10, s16, s9, $0xb8;
	[tilespmem:$0x1CC00] =	vst v63  }
0xec: {  	s14 =	simm.s32 $0x680;
	s15 =	simm.s32 $0x8100  }
0xed: {  	[tilespmem:s15], [sflag:$0x1] =	stream.indirect.gather [hbm4b:s29+s9], $0x10, s14, s9, $0xb8;
	[tilespmem:$0x1CC00] =	vst v63  }
0xee: {  	s16 =	simm.s32 $0x700;
	s18 =	simm.s32 $0x8900  }
0xef: {  	[tilespmem:s18], [sflag:$0x1] =	stream.indirect.gather [hbm4b:s29+s9], $0x10, s16, s9, $0xb8;
	[tilespmem:$0x1CC00] =	vst v63  }
0xf0: {  	s14 =	simm.s32 $0x780;
	s15 =	simm.s32 $0x9100  }
0xf1: {  	[tilespmem:s15], [sflag:$0x1] =	stream.indirect.gather [hbm4b:s29+s9], $0x10, s14, s9, $0xb8;
	[tilespmem:$0x1CC00] =	vst v63  }
0xf2: {  	s16 =	simm.s32 $0x800;
	s18 =	simm.s32 $0x9900  }
0xf3: {  	[tilespmem:s18], [sflag:$0x1] =	stream.indirect.gather [hbm4b:s29+s9], $0x10, s16, s9, $0xb8;
	[tilespmem:$0x1CC00] =	vst v63  }
0xf4: {  	s14 =	simm.s32 $0x880;
	s15 =	simm.s32 $0xA100  }
0xf5: {  	[tilespmem:s15], [sflag:$0x1] =	stream.indirect.gather [hbm4b:s29+s9], $0x10, s14, s9, $0xb8;
	[tilespmem:$0x1CC00] =	vst v63  }
0xf6: {  	s16 =	simm.s32 $0x900;
	s18 =	simm.s32 $0xA900  }
0xf7: {  	[tilespmem:s18], [sflag:$0x1] =	stream.indirect.gather [hbm4b:s29+s9], $0x10, s16, s9, $0xb8;
	[tilespmem:$0x1CC00] =	vst v63  }
0xf8: {  	s14 =	simm.s32 $0x980;
	s15 =	simm.s32 $0xB100  }
0xf9: {  	[tilespmem:s15], [sflag:$0x1] =	stream.indirect.gather [hbm4b:s29+s9], $0x10, s14, s9, $0xb8;
	[tilespmem:$0x1CC00] =	vst v63  }
0xfa: {  	s16 =	simm.s32 $0xA00;
	s18 =	simm.s32 $0xB900  }
0xfb: {  	[tilespmem:s18], [sflag:$0x1] =	stream.indirect.gather [hbm4b:s29+s9], $0x10, s16, s9, $0xb8;
	[tilespmem:$0x1CC00] =	vst v63  }
0xfc: {  	s14 =	simm.s32 $0xA80;
	s15 =	simm.s32 $0xC100  }
0xfd: {  	[tilespmem:s15], [sflag:$0x1] =	stream.indirect.gather [hbm4b:s29+s9], $0x10, s14, s9, $0xb8;
	[tilespmem:$0x1CC00] =	vst v63  }
0xfe: {  	s16 =	simm.s32 $0xB00;
	s18 =	simm.s32 $0xC900  }
0xff: {  	[tilespmem:s18], [sflag:$0x1] =	stream.indirect.gather [hbm4b:s29+s9], $0x10, s16, s9, $0xb8;
	[tilespmem:$0x1CC00] =	vst v63  }
0x100: {  	s14 =	simm.s32 $0xB80;
	s15 =	simm.s32 $0xD100  }
0x101: {  	[tilespmem:s15], [sflag:$0x1] =	stream.indirect.gather [hbm4b:s29+s9], $0x10, s14, s9, $0xb8;
	[tilespmem:$0x1CC00] =	vst v63  }
0x102: {  	s11 =	simm.s32 $0x0;
	s16 =	simm.s32 $0xC00;
	s18 =	simm.s32 $0xD900  }
0x103: {  	[tilespmem:s18], [sflag:$0x1] =	stream.indirect.gather [hbm4b:s29+s9], $0x10, s16, s9, $0xb8;
	[tilespmem:$0x1CC00] =	vst v63  }
.LBB2_2:
0x104: {  	s12 =	sshllo.u32 s11, $0x1  }
0x105: {  	s14 =	smul.u32 $0xC80, s12;
	_ =	sdelay $0x1  }
0x106: {  	_ =	swait.ge [sflag:s19], $0xC800;
	s14 =	sadd.s32 s23, s14  }
0x107: {  	[sflag:s19] =	ssyncset.done $0x0;
	s14 =	sshrl.u32 s14, $0x3  }
0x108: {  	[sflag:s19] =	ssyncadd.s32 $0xFFFF3800;
	s15 =	sadd.s32 s24, s14;
	s14 =	simm.s32 $0x0  }
0x109: {  	[tilespmem:s1], [sflag:$0x3] =	stream.linear.gather [hbm4b:s15+s14], $0xC80, $0x38;
	[tilespmem:$0x1CC00] =	vst v63  }
0x10a: {  	_ =	swait.ge [sflag:s8], $0xC80  }
0x10b: {  	[sflag:s8] =	ssyncset.done $0x0  }
0x10c: {  	s16 =	simm.s32 $0xE100;
	[sflag:s8] =	ssyncadd.s32 $0xFFFFF380  }
0x10d: {  	[tilespmem:s16], [sflag:$0x2] =	stream.indirect.gather [hbm4b:s29+s9], $0x10, s1, s9, $0xb8;
	[tilespmem:$0x1CC00] =	vst v63  }
0x10e: {  	s18 =	simm.s32 $0xD00;
	s16 =	simm.s32 $0xE900  }
0x10f: {  	[tilespmem:s16], [sflag:$0x2] =	stream.indirect.gather [hbm4b:s29+s9], $0x10, s18, s9, $0xb8;
	[tilespmem:$0x1CC00] =	vst v63  }
0x110: {  	s16 =	simm.s32 $0xD80;
	s18 =	simm.s32 $0xF100  }
0x111: {  	[tilespmem:s18], [sflag:$0x2] =	stream.indirect.gather [hbm4b:s29+s9], $0x10, s16, s9, $0xb8;
	[tilespmem:$0x1CC00] =	vst v63  }
0x112: {  	s16 =	simm.s32 $0xE00;
	s18 =	simm.s32 $0xF900  }
0x113: {  	[tilespmem:s18], [sflag:$0x2] =	stream.indirect.gather [hbm4b:s29+s9], $0x10, s16, s9, $0xb8;
	[tilespmem:$0x1CC00] =	vst v63  }
0x114: {  	s16 =	simm.s32 $0xE80;
	s18 =	simm.s32 $0x10100  }
0x115: {  	[tilespmem:s18], [sflag:$0x2] =	stream.indirect.gather [hbm4b:s29+s9], $0x10, s16, s9, $0xb8;
	[tilespmem:$0x1CC00] =	vst v63  }
0x116: {  	s16 =	simm.s32 $0xF00;
	s18 =	simm.s32 $0x10900  }
0x117: {  	[tilespmem:s18], [sflag:$0x2] =	stream.indirect.gather [hbm4b:s29+s9], $0x10, s16, s9, $0xb8;
	[tilespmem:$0x1CC00] =	vst v63  }
0x118: {  	s16 =	simm.s32 $0xF80;
	s18 =	simm.s32 $0x11100  }
0x119: {  	[tilespmem:s18], [sflag:$0x2] =	stream.indirect.gather [hbm4b:s29+s9], $0x10, s16, s9, $0xb8;
	[tilespmem:$0x1CC00] =	vst v63  }
0x11a: {  	s16 =	simm.s32 $0x1000;
	s18 =	simm.s32 $0x11900  }
0x11b: {  	[tilespmem:s18], [sflag:$0x2] =	stream.indirect.gather [hbm4b:s29+s9], $0x10, s16, s9, $0xb8;
	[tilespmem:$0x1CC00] =	vst v63  }
0x11c: {  	s16 =	simm.s32 $0x1080;
	s18 =	simm.s32 $0x12100  }
0x11d: {  	[tilespmem:s18], [sflag:$0x2] =	stream.indirect.gather [hbm4b:s29+s9], $0x10, s16, s9, $0xb8;
	[tilespmem:$0x1CC00] =	vst v63  }
0x11e: {  	s16 =	simm.s32 $0x1100;
	s18 =	simm.s32 $0x12900  }
0x11f: {  	[tilespmem:s18], [sflag:$0x2] =	stream.indirect.gather [hbm4b:s29+s9], $0x10, s16, s9, $0xb8;
	[tilespmem:$0x1CC00] =	vst v63  }
0x120: {  	s16 =	simm.s32 $0x1180;
	s18 =	simm.s32 $0x13100  }
0x121: {  	[tilespmem:s18], [sflag:$0x2] =	stream.indirect.gather [hbm4b:s29+s9], $0x10, s16, s9, $0xb8;
	[tilespmem:$0x1CC00] =	vst v63  }
0x122: {  	s16 =	simm.s32 $0x1200;
	s18 =	simm.s32 $0x13900  }
0x123: {  	[tilespmem:s18], [sflag:$0x2] =	stream.indirect.gather [hbm4b:s29+s9], $0x10, s16, s9, $0xb8;
	[tilespmem:$0x1CC00] =	vst v63  }
0x124: {  	s16 =	simm.s32 $0x1280;
	s18 =	simm.s32 $0x14100  }
0x125: {  	[tilespmem:s18], [sflag:$0x2] =	stream.indirect.gather [hbm4b:s29+s9], $0x10, s16, s9, $0xb8;
	[tilespmem:$0x1CC00] =	vst v63  }
0x126: {  	s16 =	simm.s32 $0x1300;
	s18 =	simm.s32 $0x14900  }
0x127: {  	[tilespmem:s18], [sflag:$0x2] =	stream.indirect.gather [hbm4b:s29+s9], $0x10, s16, s9, $0xb8;
	[tilespmem:$0x1CC00] =	vst v63  }
0x128: {  	s16 =	simm.s32 $0x1380;
	s18 =	simm.s32 $0x15100  }
0x129: {  	[tilespmem:s18], [sflag:$0x2] =	stream.indirect.gather [hbm4b:s29+s9], $0x10, s16, s9, $0xb8;
	[tilespmem:$0x1CC00] =	vst v63  }
0x12a: {  	s16 =	simm.s32 $0x1400;
	s18 =	simm.s32 $0x15900  }
0x12b: {  	[tilespmem:s18], [sflag:$0x2] =	stream.indirect.gather [hbm4b:s29+s9], $0x10, s16, s9, $0xb8;
	[tilespmem:$0x1CC00] =	vst v63  }
0x12c: {  	s16 =	simm.s32 $0x1480;
	s18 =	simm.s32 $0x16100  }
0x12d: {  	[tilespmem:s18], [sflag:$0x2] =	stream.indirect.gather [hbm4b:s29+s9], $0x10, s16, s9, $0xb8;
	[tilespmem:$0x1CC00] =	vst v63  }
0x12e: {  	s16 =	simm.s32 $0x1500;
	s18 =	simm.s32 $0x16900  }
0x12f: {  	[tilespmem:s18], [sflag:$0x2] =	stream.indirect.gather [hbm4b:s29+s9], $0x10, s16, s9, $0xb8;
	[tilespmem:$0x1CC00] =	vst v63  }
0x130: {  	s16 =	simm.s32 $0x1580;
	s18 =	simm.s32 $0x17100  }
0x131: {  	[tilespmem:s18], [sflag:$0x2] =	stream.indirect.gather [hbm4b:s29+s9], $0x10, s16, s9, $0xb8;
	[tilespmem:$0x1CC00] =	vst v63  }
0x132: {  	s18 =	simm.s32 $0x1600  }
0x133: {  	[tilespmem:s13], [sflag:$0x2] =	stream.indirect.gather [hbm4b:s29+s9], $0x10, s18, s9, $0xb8;
	[tilespmem:$0x1CC00] =	vst v63  }
0x134: {  	_ = 	snop  }
0x135: {  	[tilespmem:s10], [sflag:$0x2] =	stream.indirect.gather [hbm4b:s29+s9], $0x10, s0, s9, $0xb8;
	[tilespmem:$0x1CC00] =	vst v63  }
0x136: {  	_ = 	snop  }
0x137: {  	[tilespmem:s5], [sflag:$0x2] =	stream.indirect.gather [hbm4b:s29+s9], $0x10, s4, s9, $0xb8;
	[tilespmem:$0x1CC00] =	vst v63  }
0x138: {  	_ = 	snop  }
0x139: {  	[tilespmem:s2], [sflag:$0x2] =	stream.indirect.gather [hbm4b:s29+s9], $0x10, s6, s9, $0xb8;
	[tilespmem:$0x1CC00] =	vst v63  }
0x13a: {  	_ = 	snop  }
0x13b: {  	[tilespmem:s26], [sflag:$0x2] =	stream.indirect.gather [hbm4b:s29+s9], $0x10, s25, s9, $0xb8;
	[tilespmem:$0x1CC00] =	vst v63  }
0x13c: {  	s15 =	simm.s32 $0x1940  }
0x13d: {  	[tilespmem:s30], [sflag:$0x2] =	stream.indirect.gather [hbm4b:s29+s9], $0x10, s28, s9, $0xb8;
	[tilespmem:$0x1CC00] =	vst v63  }
.LBB2_3:
0x13e: {  	v0 =	vmov s15;
	_ =	sdelay $0x3  }
0x13f: {  	s18 =	simm.s32 $0x0  }
0x140: {  	v8 =	vld.idx.msk [tilespmem:v0+s18+$0x0 ss:$0x1], $0xffff  }
0x141: {  	v12 =	vld.idx.msk [tilespmem:v0+s18+$0x10 ss:$0x1], $0xffff  }
0x142: {  	v6 =	vld.idx.msk [tilespmem:v0+s18+$0xFFFFFFC0 ss:$0x1], $0xffff  }
0x143: {  	v7 =	vld.idx.msk [tilespmem:v0+s18+$0xFFFFFFD0 ss:$0x1], $0xffff  }
0x144: {  	v9 =	vld.idx.msk [tilespmem:v0+s18+$0xFFFFFFE0 ss:$0x1], $0xffff  }
0x145: {  	v11 =	vld.idx.msk [tilespmem:v0+s18+$0xFFFFFFF0 ss:$0x1], $0xffff  }
0x146: {  	v2 =	vld.idx.msk [tilespmem:v0+s18+$0x20 ss:$0x1], $0xffff  }
0x147: {  	s16 =	simm.s32 $0x80;
	v5 =	vld.idx.msk [tilespmem:v0+s18+$0x30 ss:$0x1], $0xffff  }
0x148: {  	v3 =	vld.idx.msk [tilespmem:v0+s16+$0x0 ss:$0x1], $0xffff  }
0x149: {  	v13 =	vimm.f32 $0.0e+00;
	v1 =	vld.idx.msk [tilespmem:v0+s16+$0x10 ss:$0x1], $0xffff  }
0x14a: {  	v4 =	vld.idx.msk [tilespmem:v0+s16+$0xFFFFFFC0 ss:$0x1], $0xffff;
	v14 =	vadd.f32 v6, v13;
	v15 =	vadd.f32 v7, v13  }
0x14b: {  	v6 =	vld.idx.msk [tilespmem:v0+s16+$0xFFFFFFD0 ss:$0x1], $0xffff;
	v10 =	vadd.f32 v9, v13;
	v11 =	vadd.f32 v11, v13  }
0x14c: {  	s18 =	simm.s32 $0x400;
	v7 =	vld.idx.msk [tilespmem:v0+s16+$0xFFFFFFE0 ss:$0x1], $0xffff;
	v9 =	vadd.f32 v8, v14;
	v8 =	vadd.f32 v12, v15  }
.LBB2_4:
0x14d: {  	p0 =	sne.s32 s18, $0x3000;
	v12 =	vld.idx.msk [tilespmem:v0+s16+$0xFFFFFFF0 ss:$0x1], $0xffff;
	v10 =	vadd.f32 v2, v10;
	v11 =	vadd.f32 v5, v11  }
0x14e: {  	v13 =	vmov v3;
	v2 =	vld.idx.msk [tilespmem:v0+s16+$0x20 ss:$0x1], $0xffff  }
0x14f: {  	v14 =	vmov v1;
	v5 =	vld.idx.msk [tilespmem:v0+s16+$0x30 ss:$0x1], $0xffff;
	s16 =	sshra.s32 s18, $0x2  }
.Ltmp0:
0x150: {  	v3 =	vld.idx.msk [tilespmem:v0+s16+$0x0 ss:$0x1], $0xffff;
	(pc) =	sbr.rel @p0 .LBB2_4-.Ltmp0, $4  }
0x151: {  	v1 =	vld.idx.msk [tilespmem:v0+s16+$0x10 ss:$0x1], $0xffff  }
0x152: {  	v9 =	vadd.f32 v4, v9;
	v8 =	vadd.f32 v6, v8;
	v4 =	vld.idx.msk [tilespmem:v0+s16+$0xFFFFFFC0 ss:$0x1], $0xffff  }
0x153: {  	v10 =	vadd.f32 v7, v10;
	v11 =	vadd.f32 v12, v11;
	v6 =	vld.idx.msk [tilespmem:v0+s16+$0xFFFFFFD0 ss:$0x1], $0xffff  }
0x154: {  	s18 =	sadd.s32 $0x200, s18;
	v9 =	vadd.f32 v13, v9;
	v8 =	vadd.f32 v14, v8;
	v7 =	vld.idx.msk [tilespmem:v0+s16+$0xFFFFFFE0 ss:$0x1], $0xffff  }
0x155: {  	_ =	sdelay $0x3  }
0x156: {  	v12 =	vld.idx.msk [tilespmem:v0+s16+$0xFFFFFFF0 ss:$0x1], $0xffff  }
0x157: {  	v13 =	vld.idx.msk [tilespmem:v0+s16+$0x20 ss:$0x1], $0xffff  }
0x158: {  	v63 =	vld.idx.msk [tilespmem:v0+s16+$0x30 ss:$0x1], $0xffff  }
0x159: {  	v2 =	vadd.f32 v2, v10;
	v5 =	vadd.f32 v5, v11  }
0x15a: {  	v4 =	vadd.f32 v4, v9;
	v6 =	vadd.f32 v6, v8  }
0x15b: {  	v2 =	vadd.f32 v7, v2;
	v5 =	vadd.f32 v12, v5  }
0x15c: {  	v3 =	vadd.f32 v3, v4;
	v1 =	vadd.f32 v1, v6  }
0x15d: {  	s18 =	sshll.u32 s14, $0x4;
	s14 =	sadd.s32 $0x1, s14;
	v2 =	vadd.f32 v13, v2;
	v0 =	vadd.f32 v63, v5  }
0x15e: {  	p0 =	sne.s32 s14, $0x10  }
.Ltmp1:
0x15f: {  	v1 =	vadd.f32 v1, v3;
	v0 =	vadd.f32 v0, v2;
	(pc) =	sbr.rel @p0 .LBB2_3-.Ltmp1, $4  }
0x160: {  	_ = 	snop  }
0x161: {  	v0 =	vadd.f32 v0, v1  }
0x162: {  	s16 =	sand.u32 $0x3FFFFFF0, s18  }
0x163: {  	s15 =	sadd.s32 $0xC80, s15;
	[tilespmem:s16+$0x1CB00] =	vst v0  }
0x164: {  	s14 =	sshll.u32 s11, $0x6  }
0x165: {  	s14 =	sadd.s32 s14, s22  }
0x166: {  	[hbm4b:s14+s3] =	stream.linear.scatter [tilespmem:s31], [sflag:$0x3], $0x100, $0x38;
	[tilespmem:$0x1CC00] =	vst v63  }
0x167: {  	p0 =	seq.s32 s11, $0xF;
	_ =	swait.ge [sflag:s8], $0x100  }
.Ltmp2:
0x168: {  	[sflag:s8] =	ssyncset.done $0x0;
	(pc) =	sbr.rel @p0 .LBB2_8-.Ltmp2, $4  }
0x169: {  	[sflag:s8] =	ssyncadd.s32 $0xFFFFFF00  }
0x16a: {  	_ =	swait.ge [sflag:s17], $0xC800  }
0x16b: {  	[sflag:s17] =	ssyncset.done $0x0  }
0x16c: {  	[sflag:s17] =	ssyncadd.s32 $0xFFFF3800  }
0x16d: {  	s14 =	smul.u32 $0x1900, s11  }
0x16e: {  	s15 =	rddreg [dreg:$0x1e]  }
0x16f: {  	s14 =	sadd.s32 s14, s15  }
0x170: {  	s14 =	sshrl.u32 s14, $0x3  }
0x171: {  	s14 =	sadd.s32 s24, s14  }
0x172: {  	[tilespmem:s3], [sflag:$0x3] =	stream.linear.gather [hbm4b:s14+s3], $0xC80, $0x38;
	[tilespmem:$0x1CC00] =	vst v63  }
0x173: {  	_ =	swait.ge [sflag:s8], $0xC80  }
0x174: {  	[sflag:s8] =	ssyncset.done $0x0  }
0x175: {  	[sflag:s8] =	ssyncadd.s32 $0xFFFFF380  }
0x176: {  	[tilespmem:s7], [sflag:$0x1] =	stream.indirect.gather [hbm4b:s29+s9], $0x10, s3, s9, $0xb8;
	[tilespmem:$0x1CC00] =	vst v63  }
0x177: {  	_ = 	snop  }
0x178: {  	[tilespmem:s20], [sflag:$0x1] =	stream.indirect.gather [hbm4b:s29+s9], $0x10, s9, s9, $0xb8;
	[tilespmem:$0x1CC00] =	vst v63  }
0x179: {  	s15 =	simm.s32 $0x2900  }
0x17a: {  	[tilespmem:s15], [sflag:$0x1] =	stream.indirect.gather [hbm4b:s29+s9], $0x10, s21, s9, $0xb8;
	[tilespmem:$0x1CC00] =	vst v63  }
0x17b: {  	s16 =	simm.s32 $0x180;
	s18 =	simm.s32 $0x3100  }
0x17c: {  	[tilespmem:s18], [sflag:$0x1] =	stream.indirect.gather [hbm4b:s29+s9], $0x10, s16, s9, $0xb8;
	[tilespmem:$0x1CC00] =	vst v63  }
0x17d: {  	s16 =	simm.s32 $0x200;
	s18 =	simm.s32 $0x3900  }
0x17e: {  	[tilespmem:s18], [sflag:$0x1] =	stream.indirect.gather [hbm4b:s29+s9], $0x10, s16, s9, $0xb8;
	[tilespmem:$0x1CC00] =	vst v63  }
0x17f: {  	s16 =	simm.s32 $0x280;
	s18 =	simm.s32 $0x4100  }
0x180: {  	[tilespmem:s18], [sflag:$0x1] =	stream.indirect.gather [hbm4b:s29+s9], $0x10, s16, s9, $0xb8;
	[tilespmem:$0x1CC00] =	vst v63  }
0x181: {  	s16 =	simm.s32 $0x300;
	s18 =	simm.s32 $0x4900  }
0x182: {  	[tilespmem:s18], [sflag:$0x1] =	stream.indirect.gather [hbm4b:s29+s9], $0x10, s16, s9, $0xb8;
	[tilespmem:$0x1CC00] =	vst v63  }
0x183: {  	s16 =	simm.s32 $0x380;
	s18 =	simm.s32 $0x5100  }
0x184: {  	[tilespmem:s18], [sflag:$0x1] =	stream.indirect.gather [hbm4b:s29+s9], $0x10, s16, s9, $0xb8;
	[tilespmem:$0x1CC00] =	vst v63  }
0x185: {  	s16 =	simm.s32 $0x400;
	s18 =	simm.s32 $0x5900  }
0x186: {  	[tilespmem:s18], [sflag:$0x1] =	stream.indirect.gather [hbm4b:s29+s9], $0x10, s16, s9, $0xb8;
	[tilespmem:$0x1CC00] =	vst v63  }
0x187: {  	s16 =	simm.s32 $0x480;
	s18 =	simm.s32 $0x6100  }
0x188: {  	[tilespmem:s18], [sflag:$0x1] =	stream.indirect.gather [hbm4b:s29+s9], $0x10, s16, s9, $0xb8;
	[tilespmem:$0x1CC00] =	vst v63  }
0x189: {  	s16 =	simm.s32 $0x500;
	s18 =	simm.s32 $0x6900  }
0x18a: {  	[tilespmem:s18], [sflag:$0x1] =	stream.indirect.gather [hbm4b:s29+s9], $0x10, s16, s9, $0xb8;
	[tilespmem:$0x1CC00] =	vst v63  }
0x18b: {  	s16 =	simm.s32 $0x580;
	s18 =	simm.s32 $0x7100  }
0x18c: {  	[tilespmem:s18], [sflag:$0x1] =	stream.indirect.gather [hbm4b:s29+s9], $0x10, s16, s9, $0xb8;
	[tilespmem:$0x1CC00] =	vst v63  }
0x18d: {  	s16 =	simm.s32 $0x600;
	s18 =	simm.s32 $0x7900  }
0x18e: {  	[tilespmem:s18], [sflag:$0x1] =	stream.indirect.gather [hbm4b:s29+s9], $0x10, s16, s9, $0xb8;
	[tilespmem:$0x1CC00] =	vst v63  }
0x18f: {  	s16 =	simm.s32 $0x680;
	s18 =	simm.s32 $0x8100  }
0x190: {  	[tilespmem:s18], [sflag:$0x1] =	stream.indirect.gather [hbm4b:s29+s9], $0x10, s16, s9, $0xb8;
	[tilespmem:$0x1CC00] =	vst v63  }
0x191: {  	s16 =	simm.s32 $0x700;
	s18 =	simm.s32 $0x8900  }
0x192: {  	[tilespmem:s18], [sflag:$0x1] =	stream.indirect.gather [hbm4b:s29+s9], $0x10, s16, s9, $0xb8;
	[tilespmem:$0x1CC00] =	vst v63  }
0x193: {  	s16 =	simm.s32 $0x780;
	s18 =	simm.s32 $0x9100  }
0x194: {  	[tilespmem:s18], [sflag:$0x1] =	stream.indirect.gather [hbm4b:s29+s9], $0x10, s16, s9, $0xb8;
	[tilespmem:$0x1CC00] =	vst v63  }
0x195: {  	s16 =	simm.s32 $0x800;
	s18 =	simm.s32 $0x9900  }
0x196: {  	[tilespmem:s18], [sflag:$0x1] =	stream.indirect.gather [hbm4b:s29+s9], $0x10, s16, s9, $0xb8;
	[tilespmem:$0x1CC00] =	vst v63  }
0x197: {  	s16 =	simm.s32 $0x880;
	s18 =	simm.s32 $0xA100  }
0x198: {  	[tilespmem:s18], [sflag:$0x1] =	stream.indirect.gather [hbm4b:s29+s9], $0x10, s16, s9, $0xb8;
	[tilespmem:$0x1CC00] =	vst v63  }
0x199: {  	s16 =	simm.s32 $0x900;
	s18 =	simm.s32 $0xA900  }
0x19a: {  	[tilespmem:s18], [sflag:$0x1] =	stream.indirect.gather [hbm4b:s29+s9], $0x10, s16, s9, $0xb8;
	[tilespmem:$0x1CC00] =	vst v63  }
0x19b: {  	s16 =	simm.s32 $0x980;
	s18 =	simm.s32 $0xB100  }
0x19c: {  	[tilespmem:s18], [sflag:$0x1] =	stream.indirect.gather [hbm4b:s29+s9], $0x10, s16, s9, $0xb8;
	[tilespmem:$0x1CC00] =	vst v63  }
0x19d: {  	s16 =	simm.s32 $0xA00;
	s18 =	simm.s32 $0xB900  }
0x19e: {  	[tilespmem:s18], [sflag:$0x1] =	stream.indirect.gather [hbm4b:s29+s9], $0x10, s16, s9, $0xb8;
	[tilespmem:$0x1CC00] =	vst v63  }
0x19f: {  	s16 =	simm.s32 $0xA80;
	s18 =	simm.s32 $0xC100  }
0x1a0: {  	[tilespmem:s18], [sflag:$0x1] =	stream.indirect.gather [hbm4b:s29+s9], $0x10, s16, s9, $0xb8;
	[tilespmem:$0x1CC00] =	vst v63  }
0x1a1: {  	s16 =	simm.s32 $0xB00;
	s18 =	simm.s32 $0xC900  }
0x1a2: {  	[tilespmem:s18], [sflag:$0x1] =	stream.indirect.gather [hbm4b:s29+s9], $0x10, s16, s9, $0xb8;
	[tilespmem:$0x1CC00] =	vst v63  }
0x1a3: {  	s16 =	simm.s32 $0xB80;
	s18 =	simm.s32 $0xD100  }
0x1a4: {  	[tilespmem:s18], [sflag:$0x1] =	stream.indirect.gather [hbm4b:s29+s9], $0x10, s16, s9, $0xb8;
	[tilespmem:$0x1CC00] =	vst v63  }
0x1a5: {  	s16 =	simm.s32 $0xC00;
	s18 =	simm.s32 $0xD900  }
0x1a6: {  	[tilespmem:s18], [sflag:$0x1] =	stream.indirect.gather [hbm4b:s29+s9], $0x10, s16, s9, $0xb8;
	[tilespmem:$0x1CC00] =	vst v63  }
.LBB2_8:
0x1a7: {  	s14 =	simm.s32 $0x0;
	s15 =	simm.s32 $0xE140  }
.LBB2_9:
0x1a8: {  	v0 =	vmov s15;
	_ =	sdelay $0x3  }
0x1a9: {  	s18 =	simm.s32 $0x0  }
0x1aa: {  	v8 =	vld.idx.msk [tilespmem:v0+s18+$0x0 ss:$0x1], $0xffff  }
0x1ab: {  	v12 =	vld.idx.msk [tilespmem:v0+s18+$0x10 ss:$0x1], $0xffff  }
0x1ac: {  	v6 =	vld.idx.msk [tilespmem:v0+s18+$0xFFFFFFC0 ss:$0x1], $0xffff  }
0x1ad: {  	v7 =	vld.idx.msk [tilespmem:v0+s18+$0xFFFFFFD0 ss:$0x1], $0xffff  }
0x1ae: {  	v9 =	vld.idx.msk [tilespmem:v0+s18+$0xFFFFFFE0 ss:$0x1], $0xffff  }
0x1af: {  	v11 =	vld.idx.msk [tilespmem:v0+s18+$0xFFFFFFF0 ss:$0x1], $0xffff  }
0x1b0: {  	v2 =	vld.idx.msk [tilespmem:v0+s18+$0x20 ss:$0x1], $0xffff  }
0x1b1: {  	s16 =	simm.s32 $0x80;
	v5 =	vld.idx.msk [tilespmem:v0+s18+$0x30 ss:$0x1], $0xffff  }
0x1b2: {  	v3 =	vld.idx.msk [tilespmem:v0+s16+$0x0 ss:$0x1], $0xffff  }
0x1b3: {  	v13 =	vimm.f32 $0.0e+00;
	v1 =	vld.idx.msk [tilespmem:v0+s16+$0x10 ss:$0x1], $0xffff  }
0x1b4: {  	v4 =	vld.idx.msk [tilespmem:v0+s16+$0xFFFFFFC0 ss:$0x1], $0xffff;
	v14 =	vadd.f32 v6, v13;
	v15 =	vadd.f32 v7, v13  }
0x1b5: {  	v6 =	vld.idx.msk [tilespmem:v0+s16+$0xFFFFFFD0 ss:$0x1], $0xffff;
	v10 =	vadd.f32 v9, v13;
	v11 =	vadd.f32 v11, v13  }
0x1b6: {  	s18 =	simm.s32 $0x400;
	v7 =	vld.idx.msk [tilespmem:v0+s16+$0xFFFFFFE0 ss:$0x1], $0xffff;
	v9 =	vadd.f32 v8, v14;
	v8 =	vadd.f32 v12, v15  }
.LBB2_10:
0x1b7: {  	p0 =	sne.s32 s18, $0x3000;
	v12 =	vld.idx.msk [tilespmem:v0+s16+$0xFFFFFFF0 ss:$0x1], $0xffff;
	v10 =	vadd.f32 v2, v10;
	v11 =	vadd.f32 v5, v11  }
0x1b8: {  	v13 =	vmov v3;
	v2 =	vld.idx.msk [tilespmem:v0+s16+$0x20 ss:$0x1], $0xffff  }
0x1b9: {  	v14 =	vmov v1;
	v5 =	vld.idx.msk [tilespmem:v0+s16+$0x30 ss:$0x1], $0xffff;
	s16 =	sshra.s32 s18, $0x2  }
.Ltmp3:
0x1ba: {  	v3 =	vld.idx.msk [tilespmem:v0+s16+$0x0 ss:$0x1], $0xffff;
	(pc) =	sbr.rel @p0 .LBB2_10-.Ltmp3, $4  }
0x1bb: {  	v1 =	vld.idx.msk [tilespmem:v0+s16+$0x10 ss:$0x1], $0xffff  }
0x1bc: {  	v9 =	vadd.f32 v4, v9;
	v8 =	vadd.f32 v6, v8;
	v4 =	vld.idx.msk [tilespmem:v0+s16+$0xFFFFFFC0 ss:$0x1], $0xffff  }
0x1bd: {  	v10 =	vadd.f32 v7, v10;
	v11 =	vadd.f32 v12, v11;
	v6 =	vld.idx.msk [tilespmem:v0+s16+$0xFFFFFFD0 ss:$0x1], $0xffff  }
0x1be: {  	s18 =	sadd.s32 $0x200, s18;
	v9 =	vadd.f32 v13, v9;
	v8 =	vadd.f32 v14, v8;
	v7 =	vld.idx.msk [tilespmem:v0+s16+$0xFFFFFFE0 ss:$0x1], $0xffff  }
0x1bf: {  	_ =	sdelay $0x3  }
0x1c0: {  	v12 =	vld.idx.msk [tilespmem:v0+s16+$0xFFFFFFF0 ss:$0x1], $0xffff  }
0x1c1: {  	v13 =	vld.idx.msk [tilespmem:v0+s16+$0x20 ss:$0x1], $0xffff  }
0x1c2: {  	v63 =	vld.idx.msk [tilespmem:v0+s16+$0x30 ss:$0x1], $0xffff  }
0x1c3: {  	v2 =	vadd.f32 v2, v10;
	v5 =	vadd.f32 v5, v11  }
0x1c4: {  	v4 =	vadd.f32 v4, v9;
	v6 =	vadd.f32 v6, v8  }
0x1c5: {  	v2 =	vadd.f32 v7, v2;
	v5 =	vadd.f32 v12, v5  }
0x1c6: {  	v3 =	vadd.f32 v3, v4;
	v1 =	vadd.f32 v1, v6  }
0x1c7: {  	s18 =	sshll.u32 s14, $0x4;
	s14 =	sadd.s32 $0x1, s14;
	v2 =	vadd.f32 v13, v2;
	v0 =	vadd.f32 v63, v5  }
0x1c8: {  	p0 =	sne.s32 s14, $0x10  }
.Ltmp4:
0x1c9: {  	v1 =	vadd.f32 v1, v3;
	v0 =	vadd.f32 v0, v2;
	(pc) =	sbr.rel @p0 .LBB2_9-.Ltmp4, $4  }
0x1ca: {  	_ = 	snop  }
0x1cb: {  	v0 =	vadd.f32 v0, v1  }
0x1cc: {  	s16 =	sand.u32 $0x3FFFFFF0, s18  }
0x1cd: {  	s15 =	sadd.s32 $0xC80, s15;
	[tilespmem:s16+$0x1CB00] =	vst v0  }
0x1ce: {  	s11 =	sadd.s32 $0x1, s11  }
0x1cf: {  	s12 =	sshll.u32 s12, $0x5;
	p0 =	sne.s32 s11, $0x10  }
.Ltmp5:
0x1d0: {  	s12 =	sadd.s32 s12, s22;
	(pc) =	sbr.rel @p0 .LBB2_2-.Ltmp5, $4  }
0x1d1: {  	[hbm4b:s12+s3] =	stream.linear.scatter [tilespmem:s31], [sflag:$0x3], $0x100, $0x38;
	[tilespmem:$0x1CC00] =	vst v63  }
0x1d2: {  	_ =	swait.ge [sflag:s8], $0x100  }
0x1d3: {  	[sflag:s8] =	ssyncset.done $0x0  }
0x1d4: {  	[sflag:s8] =	ssyncadd.s32 $0xFFFFFF00  }
0x1d5: {  	s7 =	rddreg [dreg:$0x1f]  }
0x1d6: {  	s11 =	rddreg [dreg:$0x1c];
	s7 =	sadd.s32 $0x1, s7  }
0x1d7: {  	p0 =	sne.s32 s7, s11  }
.Ltmp6:
0x1d8: {  	_ = 	snop;
	(pc) =	sbr.rel @p0 .LBB2_1-.Ltmp6, $1  }
0x1d9: {  	_ =	sdelay $0x3  }
0x1da: {  	_ =	sfence.sel $0x180000  }
0x1db: {  	[bflag:$0x0] =	sbarrier.arrive $0xFFFF  }
0x1dc: {  	_ =	strace $0x90000047  }
0x1dd: {  	s0 =	stileid.u32;
	[bflag:$0x2] =	sbarrier.arrive $0xFFFF  }
0x1de: {  	p0 =	sne.s32 s0, $0x0;
	s0 =	rddreg [dreg:$0x3]  }
0x1df: {  	s0 =	sadd.s32 @!p0 $0x100000, s0  }
0x1e0: {  	[sflag:s0] =	ssyncadd.tile.s32 @!p0 $0x1;
	_ =	shalt  }
.Lfunc_end2:
_tile_overlayer_lowered:
.L_overlay_start_2:
0x1e1: {  	(tag) =	ssettag $0x2  }
0x1e2: {  	s0 =	rddreg [dreg:$0x0];
	s2 =	stileid.u32  }
0x1e3: {  	s1 =	rddreg [dreg:$0x1];
	p0 =	sne.s32 s2, $0x0  }
0x1e4: {  	s3 =	rddreg [dreg:$0x2];
	[bflag:$0x3] =	sbarrier.arrive $0xFFFF;
	s2 =	simm.s32 @!p0 $0x1C03  }
0x1e5: {  	[timem:s3], [sflag:s2] =	dma.local @!p0 [hbm:s0], s1  }
0x1e6: {  	s0 =	simm.s32 @!p0 $0x3  }
0x1e7: {  	_ =	swait.ge @!p0 [sflag:s0], s1  }
0x1e8: {  	s1 =	ssub.s32 @!p0 $0x0, s1;
	[sflag:s0] =	ssyncset.done @!p0 $0x0  }
0x1e9: {  	[sflag:s0] =	ssyncadd.s32 @!p0 s1  }
0x1ea: {  	[bflag:$0x3] =	sbarrier.arrive $0xFFFF  }
0x1eb: {  	_ =	shalt  }

</sc_bundles>
